<compile_context>
chip_gen: v7x
topology: tpu7x:2x2x1
jax: 0.10.2.dev20260603
libtpu: 0.0.44.dev20260713+nightly
codegen_flags: <defaults>
</compile_context>

<pallas_src>
import jax
import jax.numpy as jnp
from jax import lax
from jax.experimental import pallas as pl
from jax.experimental.pallas import tpu as pltpu
from jax.experimental.pallas import tpu_sc as plsc

_CU = 609.5593
_CV = 172.854
_FU = 721.5377
_FV = 721.5377
_P03 = 44.85728
_P13 = 0.2163791
_P23 = 0.002745884
_BIG = 1e10

_H = 64
_W = 64
_N = _H * _W
_L = 16
_NC = 2
_NS = 16
_NW = _NC * _NS
_ROWS = _N // _NW
_NJ = _N // _L
_Q = 4
_UNROLL = 2


def _prep_body(t_ref, p_ref, x1, y1, z1, s1, x2, y2, z2, s2, mf):
    t = t_ref[...]
    p = p_ref[...]
    px = lax.broadcasted_iota(jnp.int32, (_H, _W), 1).astype(jnp.float32)
    py = lax.broadcasted_iota(jnp.int32, (_H, _W), 0).astype(jnp.float32)
    m = t > 0.0
    pen = jnp.where(m, 0.0, _BIG)

    def xyz(d):
        x = (px * (d + _P23) - (_CU * d + _P03)) / _FU
        y = (py * (d + _P23) - (_CV * d + _P13)) / _FV
        return x, y, d

    def rb(v):
        return v.astype(jnp.bfloat16).astype(jnp.float32)

    a, b, c = xyz(t)
    x1[...] = rb(a)
    y1[...] = rb(b)
    z1[...] = rb(c)
    s1[...] = a * a + b * b + c * c + pen
    a, b, c = xyz(p)
    x2[...] = rb(a)
    y2[...] = rb(b)
    z2[...] = rb(c)
    s2[...] = a * a + b * b + c * c + pen
    mf[...] = m.astype(jnp.float32)


_prep = pl.pallas_call(
    _prep_body,
    out_shape=[jax.ShapeDtypeStruct((_H, _W), jnp.float32)] * 9,
)


_DNUMS = lax.GatherDimensionNumbers(
    offset_dims=(), collapsed_slice_dims=(0,), start_index_map=(0,))


def _cd_impl(wid, x1h, y1h, z1h, s1h, x2h, y2h, z2h, s2h, mfh,
             o12h, ocmh,
             kx, ky, kz, ks, qx, qy, qz, qs, qm, vcm, vout, sem):
    base = wid * _ROWS

    copies = [
        pltpu.make_async_copy(x2h, kx, sem),
        pltpu.make_async_copy(y2h, ky, sem),
        pltpu.make_async_copy(z2h, kz, sem),
        pltpu.make_async_copy(s2h, ks, sem),
        pltpu.make_async_copy(x1h.at[pl.ds(base, _ROWS)], qx, sem),
        pltpu.make_async_copy(y1h.at[pl.ds(base, _ROWS)], qy, sem),
        pltpu.make_async_copy(z1h.at[pl.ds(base, _ROWS)], qz, sem),
        pltpu.make_async_copy(s1h.at[pl.ds(base, _ROWS)], qs, sem),
        pltpu.make_async_copy(mfh.at[pl.ds(base, _ROWS)], qm, sem),
    ]
    for c in copies:
        c.start()
    for c in copies:
        c.wait()

    def make_qb_body(first):
      def qb_body(qb, acc):
        q0 = qb * _Q
        c0 = (q0 // _L) * _L
        cqx = qx[pl.ds(c0, _L)]
        cqy = qy[pl.ds(c0, _L)]
        cqz = qz[pl.ds(c0, _L)]
        cqs = qs[pl.ds(c0, _L)]
        cqm = qm[pl.ds(c0, _L)]

        def splat(chunk, u):
            lanes = jnp.full((_L,), q0 - c0 + u, jnp.int32)
            return lax.gather(chunk, lanes[:, None], _DNUMS,
                              slice_sizes=(1,),
                              mode=lax.GatherScatterMode.PROMISE_IN_BOUNDS)

        ax = [splat(cqx, u) * -2.0 for u in range(_Q)]
        ay = [splat(cqy, u) * -2.0 for u in range(_Q)]
        az = [splat(cqz, u) * -2.0 for u in range(_Q)]
        sv = [splat(cqs, u) for u in range(_Q)]

        init = tuple(jnp.full((_L,), 4.0 * _BIG, jnp.float32)
                     for _ in range(_Q))

        @plsc.parallel_loop(0, _NJ, unroll=_UNROLL, carry=init)
        def rmins(j, carry):
            rr = list(carry)
            o = j * _L
            kxv = kx[pl.ds(o, _L)]
            kyv = ky[pl.ds(o, _L)]
            kzv = kz[pl.ds(o, _L)]
            ksv = ks[pl.ds(o, _L)]
            ts = []
            for q in range(_Q):
                t = (ksv + ax[q] * kxv + ay[q] * kyv + az[q] * kzv
                     + sv[q])
                rr[q] = jnp.minimum(rr[q], t)
                ts.append(t)
            while len(ts) > 1:
                ts = [jnp.minimum(ts[2 * i], ts[2 * i + 1])
                      for i in range(len(ts) // 2)]
            cmin = ts[0]
            if first:
                vcm[pl.ds(o, _L)] = cmin
            else:
                vcm[pl.ds(o, _L)] = jnp.minimum(vcm[pl.ds(o, _L)], cmin)
            return tuple(rr)
        for q in range(_Q):
            acc = acc + splat(cqm, q) * jnp.min(rmins[q])
        return acc
      return qb_body

    acc = make_qb_body(True)(0, jnp.zeros((_L,), jnp.float32))
    acc = lax.fori_loop(1, _ROWS // _Q, make_qb_body(False), acc)

    vout[...] = acc
    pltpu.sync_copy(vout, o12h.at[wid])
    pltpu.sync_copy(vcm, ocmh.at[wid])


def _cd_body(*refs):
    wid = lax.axis_index("s") * _NC + lax.axis_index("c")
    _cd_impl(wid, *refs)


_cd = pl.kernel(
    _cd_body,
    out_type=[jax.ShapeDtypeStruct((_NW, _L), jnp.float32),
              jax.ShapeDtypeStruct((_NW, _N), jnp.float32)],
    mesh=plsc.VectorSubcoreMesh(core_axis_name="c", subcore_axis_name="s",
                                num_cores=_NC, num_subcores=_NS),
    scratch_types=[pltpu.VMEM((_N,), jnp.float32)] * 4
                  + [pltpu.VMEM((_ROWS,), jnp.float32)] * 5
                  + [pltpu.VMEM((_N,), jnp.float32),
                     pltpu.VMEM((_L,), jnp.float32),
                     pltpu.SemaphoreType.DMA],
    compiler_params=pltpu.CompilerParams(needs_layout_passes=False),
)


def _epi_body(o12_ref, ocm_ref, mf_ref, out_ref):
    cmn = jnp.min(ocm_ref[...], axis=0, keepdims=True)
    mf = mf_ref[...]
    s21 = jnp.sum(mf * cmn)
    s12 = jnp.sum(o12_ref[:, 0:1])
    nv = jnp.maximum(jnp.sum(mf), 1.0)
    out_ref[...] = jnp.full((1, 1), (s12 + s21) / nv, jnp.float32)


_epi = pl.pallas_call(
    _epi_body,
    out_shape=jax.ShapeDtypeStruct((1, 1), jnp.float32),
)


@jax.jit
def kernel(pred, target):
    outs = _prep(target[0, 0], pred[0, 0])
    flats = [a.reshape(_N) for a in outs]
    mf2d = outs[8].reshape(1, _N)
    o12, ocm = _cd(*flats)
    return _epi(o12, ocm, mf2d)[0, 0]

# --- scband reference (transcript-rebuilt; emitter-appended) ---
"""Pipeline reference for scband-cd-loss-75419625718565 (READ-ONLY COPY).

The authoritative reference and input builder live on the scoring server;
editing this copy changes nothing except your own understanding.
"""

import jax, jax.numpy as jnp
import numpy as np

# KITTI P_rect_02 calibration matrix (hardcoded instead of reading calib_cam_to_cam.txt)
P_RECT = np.array([[721.5377, 0.0, 609.5593, 44.85728],
                   [0.0, 721.5377, 172.854, 0.2163791],
                   [0.0, 0.0, 1.0, 0.002745884]], dtype=np.float32)


def pixel2xyz(depth, P):
    # depth: [B, C, H, W]
    c_u = P[0, 2]
    c_v = P[1, 2]
    f_u = P[0, 0]
    f_v = P[1, 1]
    H, W = depth.shape[2], depth.shape[3]
    px = jnp.tile(jnp.arange(W, dtype=jnp.float32)[None, :], (H, 1))
    py = jnp.tile(jnp.arange(H, dtype=jnp.float32)[:, None], (1, W))
    const_x = c_u * depth + P[0, 3]
    const_y = c_v * depth + P[1, 3]
    x = ((px * (depth + P[2, 3]) - const_x) / f_u)[:, :, :, :, None]
    y = ((py * (depth + P[2, 3]) - const_y) / f_v)[:, :, :, :, None]
    pc = jnp.concatenate((x, y, depth[:, :, :, :, None]), axis=-1)
    return pc  # [B, C, H, W, 3]


def setup_inputs(seed: int = 0) -> dict:
    key = jax.random.key(seed)
    k1, k2 = jax.random.split(key)
    pred = jax.random.uniform(k1, (1, 1, 64, 64), dtype=jnp.float32)
    target = jax.random.uniform(k2, (1, 1, 64, 64), dtype=jnp.float32)
    return {"pred": pred, "target": target}


def reference(pred, target):
    P = jnp.asarray(P_RECT)
    valid_mask = jax.lax.stop_gradient(target) > 0
    pc1 = pixel2xyz(target, P)  # [B, C, H, W, 3]
    pc2 = pixel2xyz(pred, P)
    # pc1[0][valid_mask[0]] selects valid points of frame 0.
    # Implemented trace-safely as masked chamfer (mask is all-True for uniform(0,1) depths,
    # so this equals the torch boolean-index semantics exactly).
    m = valid_mask[0].reshape(-1)              # [N]
    p1 = pc1[0].reshape(-1, 3)                 # [N, 3] from target
    p2 = pc2[0].reshape(-1, 3)                 # [N, 3] from pred
    # Pairwise squared distances via norm expansion (avoids [N, N, 3] intermediate)
    sq1 = jnp.sum(p1 * p1, axis=1)             # [N]
    sq2 = jnp.sum(p2 * p2, axis=1)             # [N]
    D = sq1[:, None] + sq2[None, :] - 2.0 * (p1 @ p2.T)  # [N, N]
    BIG = jnp.float32(1e10)
    dist12 = jnp.min(jnp.where(m[None, :], D, BIG), axis=1)  # nearest pc2 point for each pc1 point
    dist21 = jnp.min(jnp.where(m[:, None], D, BIG), axis=0)  # nearest pc1 point for each pc2 point
    n_valid = jnp.maximum(jnp.sum(m.astype(jnp.float32)), 1.0)
    loss = jnp.sum(jnp.where(m, dist12, 0.0)) / n_valid + jnp.sum(jnp.where(m, dist21, 0.0)) / n_valid
    return loss

if __name__ == "__main__":
    import jax
    _d = setup_inputs()
    print(jax.jit(kernel)(*tuple(_d.values())))

</pallas_src>

<mosaic_0001>
#map = affine_map<(d0, d1) -> (0)>
#map1 = affine_map<(d0, d1) -> (0, 0)>
module attributes {stable_mosaic.version = 14 : i64} {
  func.func @_cd_body(%arg0: i32, %arg1: i32, %arg2: memref<4096xf32, #tpu.memory_space<hbm>>, %arg3: memref<4096xf32, #tpu.memory_space<hbm>>, %arg4: memref<4096xf32, #tpu.memory_space<hbm>>, %arg5: memref<4096xf32, #tpu.memory_space<hbm>>, %arg6: memref<4096xf32, #tpu.memory_space<hbm>>, %arg7: memref<4096xf32, #tpu.memory_space<hbm>>, %arg8: memref<4096xf32, #tpu.memory_space<hbm>>, %arg9: memref<4096xf32, #tpu.memory_space<hbm>>, %arg10: memref<4096xf32, #tpu.memory_space<hbm>>, %arg11: memref<32x16xf32, #tpu.memory_space<hbm>>, %arg12: memref<32x4096xf32, #tpu.memory_space<hbm>>, %arg13: memref<4096xf32, #tpu.memory_space<vmem>>, %arg14: memref<4096xf32, #tpu.memory_space<vmem>>, %arg15: memref<4096xf32, #tpu.memory_space<vmem>>, %arg16: memref<4096xf32, #tpu.memory_space<vmem>>, %arg17: memref<128xf32, #tpu.memory_space<vmem>>, %arg18: memref<128xf32, #tpu.memory_space<vmem>>, %arg19: memref<128xf32, #tpu.memory_space<vmem>>, %arg20: memref<128xf32, #tpu.memory_space<vmem>>, %arg21: memref<128xf32, #tpu.memory_space<vmem>>, %arg22: memref<4096xf32, #tpu.memory_space<vmem>>, %arg23: memref<16xf32, #tpu.memory_space<vmem>>, %arg24: memref<!tpu.dma_semaphore, #tpu.memory_space<semaphore_mem>>) attributes {dimension_semantics = [#tpu.dimension_semantics<core_parallel>, #tpu.dimension_semantics<subcore_parallel>], iteration_bounds = array<i64: 2, 16>, scalar_prefetch = 0 : i64, scratch_operands = 12 : i64, tpu.core_type = #tpu.core_type<sc_vector_subcore>, window_params = [{transform_indices = #map}, {transform_indices = #map}, {transform_indices = #map}, {transform_indices = #map}, {transform_indices = #map}, {transform_indices = #map}, {transform_indices = #map}, {transform_indices = #map}, {transform_indices = #map}, {transform_indices = #map1}, {transform_indices = #map1}]} {
    %mul3A = arith.constant 2 : i32
    %mul3A_0 = arith.muli %arg1, %mul3A : i32
    %add3A = arith.addi %mul3A_0, %arg0 : i32
    %mul3A_1 = arith.constant 128 : i32
    %mul3A_2 = arith.muli %add3A, %mul3A_1 : i32
    tpu.enqueue_dma source(%arg6 : memref<4096xf32, #tpu.memory_space<hbm>>) target(%arg13 : memref<4096xf32, #tpu.memory_space<vmem>>) target_semaphore(%arg24 : memref<!tpu.dma_semaphore, #tpu.memory_space<semaphore_mem>>)
    tpu.enqueue_dma source(%arg7 : memref<4096xf32, #tpu.memory_space<hbm>>) target(%arg14 : memref<4096xf32, #tpu.memory_space<vmem>>) target_semaphore(%arg24 : memref<!tpu.dma_semaphore, #tpu.memory_space<semaphore_mem>>)
    tpu.enqueue_dma source(%arg8 : memref<4096xf32, #tpu.memory_space<hbm>>) target(%arg15 : memref<4096xf32, #tpu.memory_space<vmem>>) target_semaphore(%arg24 : memref<!tpu.dma_semaphore, #tpu.memory_space<semaphore_mem>>)
    tpu.enqueue_dma source(%arg9 : memref<4096xf32, #tpu.memory_space<hbm>>) target(%arg16 : memref<4096xf32, #tpu.memory_space<vmem>>) target_semaphore(%arg24 : memref<!tpu.dma_semaphore, #tpu.memory_space<semaphore_mem>>)
    %dma_start3A = tpu.memref_slice %arg2[%mul3A_2] : memref<4096xf32, #tpu.memory_space<hbm>> -> memref<128xf32, #tpu.memory_space<hbm>>
    %dma_start3A_3 = tpu.memref_slice %arg2[%mul3A_2] : memref<4096xf32, #tpu.memory_space<hbm>> -> memref<128xf32, #tpu.memory_space<hbm>>
    tpu.enqueue_dma source(%dma_start3A_3 : memref<128xf32, #tpu.memory_space<hbm>>) target(%arg17 : memref<128xf32, #tpu.memory_space<vmem>>) target_semaphore(%arg24 : memref<!tpu.dma_semaphore, #tpu.memory_space<semaphore_mem>>)
    %dma_start3A_4 = tpu.memref_slice %arg3[%mul3A_2] : memref<4096xf32, #tpu.memory_space<hbm>> -> memref<128xf32, #tpu.memory_space<hbm>>
    %dma_start3A_5 = tpu.memref_slice %arg3[%mul3A_2] : memref<4096xf32, #tpu.memory_space<hbm>> -> memref<128xf32, #tpu.memory_space<hbm>>
    tpu.enqueue_dma source(%dma_start3A_5 : memref<128xf32, #tpu.memory_space<hbm>>) target(%arg18 : memref<128xf32, #tpu.memory_space<vmem>>) target_semaphore(%arg24 : memref<!tpu.dma_semaphore, #tpu.memory_space<semaphore_mem>>)
    %dma_start3A_6 = tpu.memref_slice %arg4[%mul3A_2] : memref<4096xf32, #tpu.memory_space<hbm>> -> memref<128xf32, #tpu.memory_space<hbm>>
    %dma_start3A_7 = tpu.memref_slice %arg4[%mul3A_2] : memref<4096xf32, #tpu.memory_space<hbm>> -> memref<128xf32, #tpu.memory_space<hbm>>
    tpu.enqueue_dma source(%dma_start3A_7 : memref<128xf32, #tpu.memory_space<hbm>>) target(%arg19 : memref<128xf32, #tpu.memory_space<vmem>>) target_semaphore(%arg24 : memref<!tpu.dma_semaphore, #tpu.memory_space<semaphore_mem>>)
    %dma_start3A_8 = tpu.memref_slice %arg5[%mul3A_2] : memref<4096xf32, #tpu.memory_space<hbm>> -> memref<128xf32, #tpu.memory_space<hbm>>
    %dma_start3A_9 = tpu.memref_slice %arg5[%mul3A_2] : memref<4096xf32, #tpu.memory_space<hbm>> -> memref<128xf32, #tpu.memory_space<hbm>>
    tpu.enqueue_dma source(%dma_start3A_9 : memref<128xf32, #tpu.memory_space<hbm>>) target(%arg20 : memref<128xf32, #tpu.memory_space<vmem>>) target_semaphore(%arg24 : memref<!tpu.dma_semaphore, #tpu.memory_space<semaphore_mem>>)
    %dma_start3A_10 = tpu.memref_slice %arg10[%mul3A_2] : memref<4096xf32, #tpu.memory_space<hbm>> -> memref<128xf32, #tpu.memory_space<hbm>>
    %dma_start3A_11 = tpu.memref_slice %arg10[%mul3A_2] : memref<4096xf32, #tpu.memory_space<hbm>> -> memref<128xf32, #tpu.memory_space<hbm>>
    tpu.enqueue_dma source(%dma_start3A_11 : memref<128xf32, #tpu.memory_space<hbm>>) target(%arg21 : memref<128xf32, #tpu.memory_space<vmem>>) target_semaphore(%arg24 : memref<!tpu.dma_semaphore, #tpu.memory_space<semaphore_mem>>)
    tpu.wait_dma2 semaphore(%arg24 : memref<!tpu.dma_semaphore, #tpu.memory_space<semaphore_mem>>) src(%arg6 : memref<4096xf32, #tpu.memory_space<hbm>>) dst(%arg13 : memref<4096xf32, #tpu.memory_space<vmem>>)
    tpu.wait_dma2 semaphore(%arg24 : memref<!tpu.dma_semaphore, #tpu.memory_space<semaphore_mem>>) src(%arg7 : memref<4096xf32, #tpu.memory_space<hbm>>) dst(%arg14 : memref<4096xf32, #tpu.memory_space<vmem>>)
    tpu.wait_dma2 semaphore(%arg24 : memref<!tpu.dma_semaphore, #tpu.memory_space<semaphore_mem>>) src(%arg8 : memref<4096xf32, #tpu.memory_space<hbm>>) dst(%arg15 : memref<4096xf32, #tpu.memory_space<vmem>>)
    tpu.wait_dma2 semaphore(%arg24 : memref<!tpu.dma_semaphore, #tpu.memory_space<semaphore_mem>>) src(%arg9 : memref<4096xf32, #tpu.memory_space<hbm>>) dst(%arg16 : memref<4096xf32, #tpu.memory_space<vmem>>)
    %dma_wait3A = tpu.memref_slice %arg2[%mul3A_2] : memref<4096xf32, #tpu.memory_space<hbm>> -> memref<128xf32, #tpu.memory_space<hbm>>
    %dma_wait3A_12 = tpu.memref_slice %arg2[%mul3A_2] : memref<4096xf32, #tpu.memory_space<hbm>> -> memref<128xf32, #tpu.memory_space<hbm>>
    tpu.wait_dma2 semaphore(%arg24 : memref<!tpu.dma_semaphore, #tpu.memory_space<semaphore_mem>>) src(%dma_wait3A_12 : memref<128xf32, #tpu.memory_space<hbm>>) dst(%arg17 : memref<128xf32, #tpu.memory_space<vmem>>)
    %dma_wait3A_13 = tpu.memref_slice %arg3[%mul3A_2] : memref<4096xf32, #tpu.memory_space<hbm>> -> memref<128xf32, #tpu.memory_space<hbm>>
    %dma_wait3A_14 = tpu.memref_slice %arg3[%mul3A_2] : memref<4096xf32, #tpu.memory_space<hbm>> -> memref<128xf32, #tpu.memory_space<hbm>>
    tpu.wait_dma2 semaphore(%arg24 : memref<!tpu.dma_semaphore, #tpu.memory_space<semaphore_mem>>) src(%dma_wait3A_14 : memref<128xf32, #tpu.memory_space<hbm>>) dst(%arg18 : memref<128xf32, #tpu.memory_space<vmem>>)
    %dma_wait3A_15 = tpu.memref_slice %arg4[%mul3A_2] : memref<4096xf32, #tpu.memory_space<hbm>> -> memref<128xf32, #tpu.memory_space<hbm>>
    %dma_wait3A_16 = tpu.memref_slice %arg4[%mul3A_2] : memref<4096xf32, #tpu.memory_space<hbm>> -> memref<128xf32, #tpu.memory_space<hbm>>
    tpu.wait_dma2 semaphore(%arg24 : memref<!tpu.dma_semaphore, #tpu.memory_space<semaphore_mem>>) src(%dma_wait3A_16 : memref<128xf32, #tpu.memory_space<hbm>>) dst(%arg19 : memref<128xf32, #tpu.memory_space<vmem>>)
    %dma_wait3A_17 = tpu.memref_slice %arg5[%mul3A_2] : memref<4096xf32, #tpu.memory_space<hbm>> -> memref<128xf32, #tpu.memory_space<hbm>>
    %dma_wait3A_18 = tpu.memref_slice %arg5[%mul3A_2] : memref<4096xf32, #tpu.memory_space<hbm>> -> memref<128xf32, #tpu.memory_space<hbm>>
    tpu.wait_dma2 semaphore(%arg24 : memref<!tpu.dma_semaphore, #tpu.memory_space<semaphore_mem>>) src(%dma_wait3A_18 : memref<128xf32, #tpu.memory_space<hbm>>) dst(%arg20 : memref<128xf32, #tpu.memory_space<vmem>>)
    %dma_wait3A_19 = tpu.memref_slice %arg10[%mul3A_2] : memref<4096xf32, #tpu.memory_space<hbm>> -> memref<128xf32, #tpu.memory_space<hbm>>
    %dma_wait3A_20 = tpu.memref_slice %arg10[%mul3A_2] : memref<4096xf32, #tpu.memory_space<hbm>> -> memref<128xf32, #tpu.memory_space<hbm>>
    tpu.wait_dma2 semaphore(%arg24 : memref<!tpu.dma_semaphore, #tpu.memory_space<semaphore_mem>>) src(%dma_wait3A_20 : memref<128xf32, #tpu.memory_space<hbm>>) dst(%arg21 : memref<128xf32, #tpu.memory_space<vmem>>)
    %broadcast_in_dim3A = arith.constant 0.000000e+00 : f32
    %broadcast_in_dim3A_21 = vector.broadcast %broadcast_in_dim3A : f32 to vector<16xf32>
    %get3A = arith.constant 0 : index
    %get3A_22 = tpu.vector_load %arg17[%get3A] {strides = array<i32>} : memref<128xf32, #tpu.memory_space<vmem>>, vector<16xf32>,
    %get3A_23 = arith.constant 0 : index
    %get3A_24 = tpu.vector_load %arg18[%get3A_23] {strides = array<i32>} : memref<128xf32, #tpu.memory_space<vmem>>, vector<16xf32>,
    %get3A_25 = arith.constant 0 : index
    %get3A_26 = tpu.vector_load %arg19[%get3A_25] {strides = array<i32>} : memref<128xf32, #tpu.memory_space<vmem>>, vector<16xf32>,
    %get3A_27 = arith.constant 0 : index
    %get3A_28 = tpu.vector_load %arg20[%get3A_27] {strides = array<i32>} : memref<128xf32, #tpu.memory_space<vmem>>, vector<16xf32>,
    %get3A_29 = arith.constant 0 : index
    %get3A_30 = tpu.vector_load %arg21[%get3A_29] {strides = array<i32>} : memref<128xf32, #tpu.memory_space<vmem>>, vector<16xf32>,
    %broadcast_in_dim3A_31 = arith.constant 0 : i32
    %broadcast_in_dim3A_32 = vector.broadcast %broadcast_in_dim3A_31 : i32 to vector<16xi32>
    %broadcast_in_dim3A_33 = vector.shape_cast %broadcast_in_dim3A_32 : vector<16xi32> to vector<16x1xi32>
    %gather3A = vector.shape_cast %broadcast_in_dim3A_33 : vector<16x1xi32> to vector<16xi32>
    %gather3A_34 = tpu.dynamic_gather %get3A_22[%gather3A] in [0] : vector<16xf32>, vector<16xi32> -> vector<16xf32>
    %mul3A_35 = arith.constant -2.000000e+00 : f32
    %mul3A_36 = vector.broadcast %mul3A_35 : f32 to vector<16xf32>
    %mul3A_37 = arith.mulf %gather3A_34, %mul3A_36 : vector<16xf32>
    %broadcast_in_dim3A_38 = arith.constant 1 : i32
    %broadcast_in_dim3A_39 = vector.broadcast %broadcast_in_dim3A_38 : i32 to vector<16xi32>
    %broadcast_in_dim3A_40 = vector.shape_cast %broadcast_in_dim3A_39 : vector<16xi32> to vector<16x1xi32>
    %gather3A_41 = vector.shape_cast %broadcast_in_dim3A_40 : vector<16x1xi32> to vector<16xi32>
    %gather3A_42 = tpu.dynamic_gather %get3A_22[%gather3A_41] in [0] : vector<16xf32>, vector<16xi32> -> vector<16xf32>
    %mul3A_43 = arith.constant -2.000000e+00 : f32
    %mul3A_44 = vector.broadcast %mul3A_43 : f32 to vector<16xf32>
    %mul3A_45 = arith.mulf %gather3A_42, %mul3A_44 : vector<16xf32>
    %broadcast_in_dim3A_46 = arith.constant 2 : i32
    %broadcast_in_dim3A_47 = vector.broadcast %broadcast_in_dim3A_46 : i32 to vector<16xi32>
    %broadcast_in_dim3A_48 = vector.shape_cast %broadcast_in_dim3A_47 : vector<16xi32> to vector<16x1xi32>
    %gather3A_49 = vector.shape_cast %broadcast_in_dim3A_48 : vector<16x1xi32> to vector<16xi32>
    %gather3A_50 = tpu.dynamic_gather %get3A_22[%gather3A_49] in [0] : vector<16xf32>, vector<16xi32> -> vector<16xf32>
    %mul3A_51 = arith.constant -2.000000e+00 : f32
    %mul3A_52 = vector.broadcast %mul3A_51 : f32 to vector<16xf32>
    %mul3A_53 = arith.mulf %gather3A_50, %mul3A_52 : vector<16xf32>
    %broadcast_in_dim3A_54 = arith.constant 3 : i32
    %broadcast_in_dim3A_55 = vector.broadcast %broadcast_in_dim3A_54 : i32 to vector<16xi32>
    %broadcast_in_dim3A_56 = vector.shape_cast %broadcast_in_dim3A_55 : vector<16xi32> to vector<16x1xi32>
    %gather3A_57 = vector.shape_cast %broadcast_in_dim3A_56 : vector<16x1xi32> to vector<16xi32>
    %gather3A_58 = tpu.dynamic_gather %get3A_22[%gather3A_57] in [0] : vector<16xf32>, vector<16xi32> -> vector<16xf32>
    %mul3A_59 = arith.constant -2.000000e+00 : f32
    %mul3A_60 = vector.broadcast %mul3A_59 : f32 to vector<16xf32>
    %mul3A_61 = arith.mulf %gather3A_58, %mul3A_60 : vector<16xf32>
    %broadcast_in_dim3A_62 = arith.constant 0 : i32
    %broadcast_in_dim3A_63 = vector.broadcast %broadcast_in_dim3A_62 : i32 to vector<16xi32>
    %broadcast_in_dim3A_64 = vector.shape_cast %broadcast_in_dim3A_63 : vector<16xi32> to vector<16x1xi32>
    %gather3A_65 = vector.shape_cast %broadcast_in_dim3A_64 : vector<16x1xi32> to vector<16xi32>
    %gather3A_66 = tpu.dynamic_gather %get3A_24[%gather3A_65] in [0] : vector<16xf32>, vector<16xi32> -> vector<16xf32>
    %mul3A_67 = arith.constant -2.000000e+00 : f32
    %mul3A_68 = vector.broadcast %mul3A_67 : f32 to vector<16xf32>
    %mul3A_69 = arith.mulf %gather3A_66, %mul3A_68 : vector<16xf32>
    %broadcast_in_dim3A_70 = arith.constant 1 : i32
    %broadcast_in_dim3A_71 = vector.broadcast %broadcast_in_dim3A_70 : i32 to vector<16xi32>
    %broadcast_in_dim3A_72 = vector.shape_cast %broadcast_in_dim3A_71 : vector<16xi32> to vector<16x1xi32>
    %gather3A_73 = vector.shape_cast %broadcast_in_dim3A_72 : vector<16x1xi32> to vector<16xi32>
    %gather3A_74 = tpu.dynamic_gather %get3A_24[%gather3A_73] in [0] : vector<16xf32>, vector<16xi32> -> vector<16xf32>
    %mul3A_75 = arith.constant -2.000000e+00 : f32
    %mul3A_76 = vector.broadcast %mul3A_75 : f32 to vector<16xf32>
    %mul3A_77 = arith.mulf %gather3A_74, %mul3A_76 : vector<16xf32>
    %broadcast_in_dim3A_78 = arith.constant 2 : i32
    %broadcast_in_dim3A_79 = vector.broadcast %broadcast_in_dim3A_78 : i32 to vector<16xi32>
    %broadcast_in_dim3A_80 = vector.shape_cast %broadcast_in_dim3A_79 : vector<16xi32> to vector<16x1xi32>
    %gather3A_81 = vector.shape_cast %broadcast_in_dim3A_80 : vector<16x1xi32> to vector<16xi32>
    %gather3A_82 = tpu.dynamic_gather %get3A_24[%gather3A_81] in [0] : vector<16xf32>, vector<16xi32> -> vector<16xf32>
    %mul3A_83 = arith.constant -2.000000e+00 : f32
    %mul3A_84 = vector.broadcast %mul3A_83 : f32 to vector<16xf32>
    %mul3A_85 = arith.mulf %gather3A_82, %mul3A_84 : vector<16xf32>
    %broadcast_in_dim3A_86 = arith.constant 3 : i32
    %broadcast_in_dim3A_87 = vector.broadcast %broadcast_in_dim3A_86 : i32 to vector<16xi32>
    %broadcast_in_dim3A_88 = vector.shape_cast %broadcast_in_dim3A_87 : vector<16xi32> to vector<16x1xi32>
    %gather3A_89 = vector.shape_cast %broadcast_in_dim3A_88 : vector<16x1xi32> to vector<16xi32>
    %gather3A_90 = tpu.dynamic_gather %get3A_24[%gather3A_89] in [0] : vector<16xf32>, vector<16xi32> -> vector<16xf32>
    %mul3A_91 = arith.constant -2.000000e+00 : f32
    %mul3A_92 = vector.broadcast %mul3A_91 : f32 to vector<16xf32>
    %mul3A_93 = arith.mulf %gather3A_90, %mul3A_92 : vector<16xf32>
    %broadcast_in_dim3A_94 = arith.constant 0 : i32
    %broadcast_in_dim3A_95 = vector.broadcast %broadcast_in_dim3A_94 : i32 to vector<16xi32>
    %broadcast_in_dim3A_96 = vector.shape_cast %broadcast_in_dim3A_95 : vector<16xi32> to vector<16x1xi32>
    %gather3A_97 = vector.shape_cast %broadcast_in_dim3A_96 : vector<16x1xi32> to vector<16xi32>
    %gather3A_98 = tpu.dynamic_gather %get3A_26[%gather3A_97] in [0] : vector<16xf32>, vector<16xi32> -> vector<16xf32>
    %mul3A_99 = arith.constant -2.000000e+00 : f32
    %mul3A_100 = vector.broadcast %mul3A_99 : f32 to vector<16xf32>
    %mul3A_101 = arith.mulf %gather3A_98, %mul3A_100 : vector<16xf32>
    %broadcast_in_dim3A_102 = arith.constant 1 : i32
    %broadcast_in_dim3A_103 = vector.broadcast %broadcast_in_dim3A_102 : i32 to vector<16xi32>
    %broadcast_in_dim3A_104 = vector.shape_cast %broadcast_in_dim3A_103 : vector<16xi32> to vector<16x1xi32>
    %gather3A_105 = vector.shape_cast %broadcast_in_dim3A_104 : vector<16x1xi32> to vector<16xi32>
    %gather3A_106 = tpu.dynamic_gather %get3A_26[%gather3A_105] in [0] : vector<16xf32>, vector<16xi32> -> vector<16xf32>
    %mul3A_107 = arith.constant -2.000000e+00 : f32
    %mul3A_108 = vector.broadcast %mul3A_107 : f32 to vector<16xf32>
    %mul3A_109 = arith.mulf %gather3A_106, %mul3A_108 : vector<16xf32>
    %broadcast_in_dim3A_110 = arith.constant 2 : i32
    %broadcast_in_dim3A_111 = vector.broadcast %broadcast_in_dim3A_110 : i32 to vector<16xi32>
    %broadcast_in_dim3A_112 = vector.shape_cast %broadcast_in_dim3A_111 : vector<16xi32> to vector<16x1xi32>
    %gather3A_113 = vector.shape_cast %broadcast_in_dim3A_112 : vector<16x1xi32> to vector<16xi32>
    %gather3A_114 = tpu.dynamic_gather %get3A_26[%gather3A_113] in [0] : vector<16xf32>, vector<16xi32> -> vector<16xf32>
    %mul3A_115 = arith.constant -2.000000e+00 : f32
    %mul3A_116 = vector.broadcast %mul3A_115 : f32 to vector<16xf32>
    %mul3A_117 = arith.mulf %gather3A_114, %mul3A_116 : vector<16xf32>
    %broadcast_in_dim3A_118 = arith.constant 3 : i32
    %broadcast_in_dim3A_119 = vector.broadcast %broadcast_in_dim3A_118 : i32 to vector<16xi32>
    %broadcast_in_dim3A_120 = vector.shape_cast %broadcast_in_dim3A_119 : vector<16xi32> to vector<16x1xi32>
    %gather3A_121 = vector.shape_cast %broadcast_in_dim3A_120 : vector<16x1xi32> to vector<16xi32>
    %gather3A_122 = tpu.dynamic_gather %get3A_26[%gather3A_121] in [0] : vector<16xf32>, vector<16xi32> -> vector<16xf32>
    %mul3A_123 = arith.constant -2.000000e+00 : f32
    %mul3A_124 = vector.broadcast %mul3A_123 : f32 to vector<16xf32>
    %mul3A_125 = arith.mulf %gather3A_122, %mul3A_124 : vector<16xf32>
    %broadcast_in_dim3A_126 = arith.constant 0 : i32
    %broadcast_in_dim3A_127 = vector.broadcast %broadcast_in_dim3A_126 : i32 to vector<16xi32>
    %broadcast_in_dim3A_128 = vector.shape_cast %broadcast_in_dim3A_127 : vector<16xi32> to vector<16x1xi32>
    %gather3A_129 = vector.shape_cast %broadcast_in_dim3A_128 : vector<16x1xi32> to vector<16xi32>
    %gather3A_130 = tpu.dynamic_gather %get3A_28[%gather3A_129] in [0] : vector<16xf32>, vector<16xi32> -> vector<16xf32>
    %broadcast_in_dim3A_131 = arith.constant 1 : i32
    %broadcast_in_dim3A_132 = vector.broadcast %broadcast_in_dim3A_131 : i32 to vector<16xi32>
    %broadcast_in_dim3A_133 = vector.shape_cast %broadcast_in_dim3A_132 : vector<16xi32> to vector<16x1xi32>
    %gather3A_134 = vector.shape_cast %broadcast_in_dim3A_133 : vector<16x1xi32> to vector<16xi32>
    %gather3A_135 = tpu.dynamic_gather %get3A_28[%gather3A_134] in [0] : vector<16xf32>, vector<16xi32> -> vector<16xf32>
    %broadcast_in_dim3A_136 = arith.constant 2 : i32
    %broadcast_in_dim3A_137 = vector.broadcast %broadcast_in_dim3A_136 : i32 to vector<16xi32>
    %broadcast_in_dim3A_138 = vector.shape_cast %broadcast_in_dim3A_137 : vector<16xi32> to vector<16x1xi32>
    %gather3A_139 = vector.shape_cast %broadcast_in_dim3A_138 : vector<16x1xi32> to vector<16xi32>
    %gather3A_140 = tpu.dynamic_gather %get3A_28[%gather3A_139] in [0] : vector<16xf32>, vector<16xi32> -> vector<16xf32>
    %broadcast_in_dim3A_141 = arith.constant 3 : i32
    %broadcast_in_dim3A_142 = vector.broadcast %broadcast_in_dim3A_141 : i32 to vector<16xi32>
    %broadcast_in_dim3A_143 = vector.shape_cast %broadcast_in_dim3A_142 : vector<16xi32> to vector<16x1xi32>
    %gather3A_144 = vector.shape_cast %broadcast_in_dim3A_143 : vector<16x1xi32> to vector<16xi32>
    %gather3A_145 = tpu.dynamic_gather %get3A_28[%gather3A_144] in [0] : vector<16xf32>, vector<16xi32> -> vector<16xf32>
    %broadcast_in_dim3A_146 = arith.constant 4.000000e+10 : f32
    %broadcast_in_dim3A_147 = vector.broadcast %broadcast_in_dim3A_146 : f32 to vector<16xf32>
    %broadcast_in_dim3A_148 = arith.constant 4.000000e+10 : f32
    %broadcast_in_dim3A_149 = vector.broadcast %broadcast_in_dim3A_148 : f32 to vector<16xf32>
    %broadcast_in_dim3A_150 = arith.constant 4.000000e+10 : f32
    %broadcast_in_dim3A_151 = vector.broadcast %broadcast_in_dim3A_150 : f32 to vector<16xf32>
    %broadcast_in_dim3A_152 = arith.constant 4.000000e+10 : f32
    %broadcast_in_dim3A_153 = vector.broadcast %broadcast_in_dim3A_152 : f32 to vector<16xf32>
    %parallel_loop3A = arith.constant 0 : i32
    %parallel_loop3A_154 = arith.constant 256 : i32
    %parallel_loop3A_155 = arith.constant 1 : i32
    %parallel_loop3A_156:4 = scf.for %parallel_loop3A_210 = %parallel_loop3A to %parallel_loop3A_154 step %parallel_loop3A_155 iter_args(%parallel_loop3A_211 = %broadcast_in_dim3A_147, %parallel_loop3A_212 = %broadcast_in_dim3A_149, %parallel_loop3A_213 = %broadcast_in_dim3A_151, %parallel_loop3A_214 = %broadcast_in_dim3A_153) -> (vector<16xf32>, vector<16xf32>, vector<16xf32>, vector<16xf32>)  : i32 {
      %parallel_loop3A_215 = arith.constant 16 : i32
      %parallel_loop3A_216 = arith.muli %parallel_loop3A_210, %parallel_loop3A_215 : i32
      %parallel_loop3A_217 = arith.index_cast %parallel_loop3A_216 : i32 to index
      %parallel_loop3A_218 = tpu.vector_load %arg13[%parallel_loop3A_217] {strides = array<i32>} : memref<4096xf32, #tpu.memory_space<vmem>>, vector<16xf32>,
      %parallel_loop3A_219 = arith.index_cast %parallel_loop3A_216 : i32 to index
      %parallel_loop3A_220 = tpu.vector_load %arg14[%parallel_loop3A_219] {strides = array<i32>} : memref<4096xf32, #tpu.memory_space<vmem>>, vector<16xf32>,
      %parallel_loop3A_221 = arith.index_cast %parallel_loop3A_216 : i32 to index
      %parallel_loop3A_222 = tpu.vector_load %arg15[%parallel_loop3A_221] {strides = array<i32>} : memref<4096xf32, #tpu.memory_space<vmem>>, vector<16xf32>,
      %parallel_loop3A_223 = arith.index_cast %parallel_loop3A_216 : i32 to index
      %parallel_loop3A_224 = tpu.vector_load %arg16[%parallel_loop3A_223] {strides = array<i32>} : memref<4096xf32, #tpu.memory_space<vmem>>, vector<16xf32>,
      %parallel_loop3A_225 = arith.mulf %mul3A_37, %parallel_loop3A_218 : vector<16xf32>
      %parallel_loop3A_226 = arith.addf %parallel_loop3A_224, %parallel_loop3A_225 : vector<16xf32>
      %parallel_loop3A_227 = arith.mulf %mul3A_69, %parallel_loop3A_220 : vector<16xf32>
      %parallel_loop3A_228 = arith.addf %parallel_loop3A_226, %parallel_loop3A_227 : vector<16xf32>
      %parallel_loop3A_229 = arith.mulf %mul3A_101, %parallel_loop3A_222 : vector<16xf32>
      %parallel_loop3A_230 = arith.addf %parallel_loop3A_228, %parallel_loop3A_229 : vector<16xf32>
      %parallel_loop3A_231 = arith.addf %parallel_loop3A_230, %gather3A_130 : vector<16xf32>
      %parallel_loop3A_232 = arith.minimumf %parallel_loop3A_211, %parallel_loop3A_231 : vector<16xf32>
      %parallel_loop3A_233 = arith.mulf %mul3A_45, %parallel_loop3A_218 : vector<16xf32>
      %parallel_loop3A_234 = arith.addf %parallel_loop3A_224, %parallel_loop3A_233 : vector<16xf32>
      %parallel_loop3A_235 = arith.mulf %mul3A_77, %parallel_loop3A_220 : vector<16xf32>
      %parallel_loop3A_236 = arith.addf %parallel_loop3A_234, %parallel_loop3A_235 : vector<16xf32>
      %parallel_loop3A_237 = arith.mulf %mul3A_109, %parallel_loop3A_222 : vector<16xf32>
      %parallel_loop3A_238 = arith.addf %parallel_loop3A_236, %parallel_loop3A_237 : vector<16xf32>
      %parallel_loop3A_239 = arith.addf %parallel_loop3A_238, %gather3A_135 : vector<16xf32>
      %parallel_loop3A_240 = arith.minimumf %parallel_loop3A_212, %parallel_loop3A_239 : vector<16xf32>
      %parallel_loop3A_241 = arith.mulf %mul3A_53, %parallel_loop3A_218 : vector<16xf32>
      %parallel_loop3A_242 = arith.addf %parallel_loop3A_224, %parallel_loop3A_241 : vector<16xf32>
      %parallel_loop3A_243 = arith.mulf %mul3A_85, %parallel_loop3A_220 : vector<16xf32>
      %parallel_loop3A_244 = arith.addf %parallel_loop3A_242, %parallel_loop3A_243 : vector<16xf32>
      %parallel_loop3A_245 = arith.mulf %mul3A_117, %parallel_loop3A_222 : vector<16xf32>
      %parallel_loop3A_246 = arith.addf %parallel_loop3A_244, %parallel_loop3A_245 : vector<16xf32>
      %parallel_loop3A_247 = arith.addf %parallel_loop3A_246, %gather3A_140 : vector<16xf32>
      %parallel_loop3A_248 = arith.minimumf %parallel_loop3A_213, %parallel_loop3A_247 : vector<16xf32>
      %parallel_loop3A_249 = arith.mulf %mul3A_61, %parallel_loop3A_218 : vector<16xf32>
      %parallel_loop3A_250 = arith.addf %parallel_loop3A_224, %parallel_loop3A_249 : vector<16xf32>
      %parallel_loop3A_251 = arith.mulf %mul3A_93, %parallel_loop3A_220 : vector<16xf32>
      %parallel_loop3A_252 = arith.addf %parallel_loop3A_250, %parallel_loop3A_251 : vector<16xf32>
      %parallel_loop3A_253 = arith.mulf %mul3A_125, %parallel_loop3A_222 : vector<16xf32>
      %parallel_loop3A_254 = arith.addf %parallel_loop3A_252, %parallel_loop3A_253 : vector<16xf32>
      %parallel_loop3A_255 = arith.addf %parallel_loop3A_254, %gather3A_145 : vector<16xf32>
      %parallel_loop3A_256 = arith.minimumf %parallel_loop3A_214, %parallel_loop3A_255 : vector<16xf32>
      %parallel_loop3A_257 = arith.minimumf %parallel_loop3A_231, %parallel_loop3A_239 : vector<16xf32>
      %parallel_loop3A_258 = arith.minimumf %parallel_loop3A_247, %parallel_loop3A_255 : vector<16xf32>
      %parallel_loop3A_259 = arith.minimumf %parallel_loop3A_257, %parallel_loop3A_258 : vector<16xf32>
      %parallel_loop3A_260 = arith.index_cast %parallel_loop3A_216 : i32 to index
      %parallel_loop3A_261 = tpu.vector_load %arg22[%parallel_loop3A_260] {strides = array<i32>} : memref<4096xf32, #tpu.memory_space<vmem>>, vector<16xf32>,
      tpu.vector_store %arg22[%parallel_loop3A_260], %parallel_loop3A_259 {strides = array<i32>} : memref<4096xf32, #tpu.memory_space<vmem>>, vector<16xf32>,
      scf.yield %parallel_loop3A_232, %parallel_loop3A_240, %parallel_loop3A_248, %parallel_loop3A_256 : vector<16xf32>, vector<16xf32>, vector<16xf32>, vector<16xf32>
    } {sc.loop_unroll_factor = 2 : i64, sc.parallel_access}
    %broadcast_in_dim3A_157 = arith.constant 0 : i32
    %broadcast_in_dim3A_158 = vector.broadcast %broadcast_in_dim3A_157 : i32 to vector<16xi32>
    %broadcast_in_dim3A_159 = vector.shape_cast %broadcast_in_dim3A_158 : vector<16xi32> to vector<16x1xi32>
    %gather3A_160 = vector.shape_cast %broadcast_in_dim3A_159 : vector<16x1xi32> to vector<16xi32>
    %gather3A_161 = tpu.dynamic_gather %get3A_30[%gather3A_160] in [0] : vector<16xf32>, vector<16xi32> -> vector<16xf32>
    %reduce_min3A = arith.constant true
    %reduce_min3A_162 = vector.broadcast %reduce_min3A : i1 to vector<16xi1>
    %reduce_min3A_163 = tpu.scan <min>, %parallel_loop3A_156#0 masked %reduce_min3A_162 : vector<16xf32>, vector<16xi1> -> vector<16xf32>
    %reduce_min3A_164 = vector.extract %reduce_min3A_163[15] : f32 from vector<16xf32>
    %mul3A_165 = vector.broadcast %reduce_min3A_164 : f32 to vector<16xf32>
    %mul3A_166 = arith.mulf %gather3A_161, %mul3A_165 : vector<16xf32>
    %add3A_167 = arith.addf %broadcast_in_dim3A_21, %mul3A_166 : vector<16xf32>
    %broadcast_in_dim3A_168 = arith.constant 1 : i32
    %broadcast_in_dim3A_169 = vector.broadcast %broadcast_in_dim3A_168 : i32 to vector<16xi32>
    %broadcast_in_dim3A_170 = vector.shape_cast %broadcast_in_dim3A_169 : vector<16xi32> to vector<16x1xi32>
    %gather3A_171 = vector.shape_cast %broadcast_in_dim3A_170 : vector<16x1xi32> to vector<16xi32>
    %gather3A_172 = tpu.dynamic_gather %get3A_30[%gather3A_171] in [0] : vector<16xf32>, vector<16xi32> -> vector<16xf32>
    %reduce_min3A_173 = arith.constant true
    %reduce_min3A_174 = vector.broadcast %reduce_min3A_173 : i1 to vector<16xi1>
    %reduce_min3A_175 = tpu.scan <min>, %parallel_loop3A_156#1 masked %reduce_min3A_174 : vector<16xf32>, vector<16xi1> -> vector<16xf32>
    %reduce_min3A_176 = vector.extract %reduce_min3A_175[15] : f32 from vector<16xf32>
    %mul3A_177 = vector.broadcast %reduce_min3A_176 : f32 to vector<16xf32>
    %mul3A_178 = arith.mulf %gather3A_172, %mul3A_177 : vector<16xf32>
    %add3A_179 = arith.addf %add3A_167, %mul3A_178 : vector<16xf32>
    %broadcast_in_dim3A_180 = arith.constant 2 : i32
    %broadcast_in_dim3A_181 = vector.broadcast %broadcast_in_dim3A_180 : i32 to vector<16xi32>
    %broadcast_in_dim3A_182 = vector.shape_cast %broadcast_in_dim3A_181 : vector<16xi32> to vector<16x1xi32>
    %gather3A_183 = vector.shape_cast %broadcast_in_dim3A_182 : vector<16x1xi32> to vector<16xi32>
    %gather3A_184 = tpu.dynamic_gather %get3A_30[%gather3A_183] in [0] : vector<16xf32>, vector<16xi32> -> vector<16xf32>
    %reduce_min3A_185 = arith.constant true
    %reduce_min3A_186 = vector.broadcast %reduce_min3A_185 : i1 to vector<16xi1>
    %reduce_min3A_187 = tpu.scan <min>, %parallel_loop3A_156#2 masked %reduce_min3A_186 : vector<16xf32>, vector<16xi1> -> vector<16xf32>
    %reduce_min3A_188 = vector.extract %reduce_min3A_187[15] : f32 from vector<16xf32>
    %mul3A_189 = vector.broadcast %reduce_min3A_188 : f32 to vector<16xf32>
    %mul3A_190 = arith.mulf %gather3A_184, %mul3A_189 : vector<16xf32>
    %add3A_191 = arith.addf %add3A_179, %mul3A_190 : vector<16xf32>
    %broadcast_in_dim3A_192 = arith.constant 3 : i32
    %broadcast_in_dim3A_193 = vector.broadcast %broadcast_in_dim3A_192 : i32 to vector<16xi32>
    %broadcast_in_dim3A_194 = vector.shape_cast %broadcast_in_dim3A_193 : vector<16xi32> to vector<16x1xi32>
    %gather3A_195 = vector.shape_cast %broadcast_in_dim3A_194 : vector<16x1xi32> to vector<16xi32>
    %gather3A_196 = tpu.dynamic_gather %get3A_30[%gather3A_195] in [0] : vector<16xf32>, vector<16xi32> -> vector<16xf32>
    %reduce_min3A_197 = arith.constant true
    %reduce_min3A_198 = vector.broadcast %reduce_min3A_197 : i1 to vector<16xi1>
    %reduce_min3A_199 = tpu.scan <min>, %parallel_loop3A_156#3 masked %reduce_min3A_198 : vector<16xf32>, vector<16xi1> -> vector<16xf32>
    %reduce_min3A_200 = vector.extract %reduce_min3A_199[15] : f32 from vector<16xf32>
    %mul3A_201 = vector.broadcast %reduce_min3A_200 : f32 to vector<16xf32>
    %mul3A_202 = arith.mulf %gather3A_196, %mul3A_201 : vector<16xf32>
    %add3A_203 = arith.addf %add3A_191, %mul3A_202 : vector<16xf32>
    %scan3A = arith.constant 1 : i32
    %scan3A_204 = arith.constant 31 : i32
    %scan3A_205 = arith.addi %scan3A, %scan3A_204 : i32
    %scan3A_206 = arith.constant 1 : i32
    %scan3A_207 = scf.for %scan3A_210 = %scan3A to %scan3A_205 step %scan3A_206 iter_args(%scan3A_211 = %add3A_203) -> (vector<16xf32>)  : i32 {
      %mul3A_212 = arith.constant 4 : i32
      %mul3A_213 = arith.muli %scan3A_210, %mul3A_212 : i32
      %jit3A = arith.constant 16 : i32
      %div3A = arith.divsi %mul3A_213, %jit3A : i32
      %sign3A = arith.constant 0 : i32
      %sign3A_214 = arith.cmpi sgt, %mul3A_213, %sign3A : i32
      %sign3A_215 = arith.extui %sign3A_214 : i1 to i32
      %sign3A_216 = arith.constant 0 : i32
      %sign3A_217 = arith.cmpi slt, %mul3A_213, %sign3A_216 : i32
      %sign3A_218 = arith.extui %sign3A_217 : i1 to i32
      %sign3A_219 = arith.subi %sign3A_215, %sign3A_218 : i32
      %sign3A_220 = arith.constant 0 : i32
      %sign3A_221 = arith.cmpi sgt, %jit3A, %sign3A_220 : i32
      %sign3A_222 = arith.extui %sign3A_221 : i1 to i32
      %sign3A_223 = arith.constant 0 : i32
      %sign3A_224 = arith.cmpi slt, %jit3A, %sign3A_223 : i32
      %sign3A_225 = arith.extui %sign3A_224 : i1 to i32
      %sign3A_226 = arith.subi %sign3A_222, %sign3A_225 : i32
      %ne3A = arith.cmpi ne, %sign3A_219, %sign3A_226 : i32
      %rem3A = arith.remsi %mul3A_213, %jit3A : i32
      %ne3A_227 = arith.constant 0 : i32
      %ne3A_228 = arith.cmpi ne, %rem3A, %ne3A_227 : i32
      %and3A = arith.andi %ne3A, %ne3A_228 : i1
      %sub3A = arith.constant 1 : i32
      %sub3A_229 = arith.subi %div3A, %sub3A : i32
      %select_n3A = arith.select %and3A, %sub3A_229, %div3A : i32
      %mul3A_230 = arith.constant 16 : i32
      %mul3A_231 = arith.muli %select_n3A, %mul3A_230 : i32
      %get3A_232 = arith.index_cast %mul3A_231 : i32 to index
      %get3A_233 = tpu.vector_load %arg17[%get3A_232] {strides = array<i32>} : memref<128xf32, #tpu.memory_space<vmem>>, vector<16xf32>,
      %get3A_234 = arith.index_cast %mul3A_231 : i32 to index
      %get3A_235 = tpu.vector_load %arg18[%get3A_234] {strides = array<i32>} : memref<128xf32, #tpu.memory_space<vmem>>, vector<16xf32>,
      %get3A_236 = arith.index_cast %mul3A_231 : i32 to index
      %get3A_237 = tpu.vector_load %arg19[%get3A_236] {strides = array<i32>} : memref<128xf32, #tpu.memory_space<vmem>>, vector<16xf32>,
      %get3A_238 = arith.index_cast %mul3A_231 : i32 to index
      %get3A_239 = tpu.vector_load %arg20[%get3A_238] {strides = array<i32>} : memref<128xf32, #tpu.memory_space<vmem>>, vector<16xf32>,
      %get3A_240 = arith.index_cast %mul3A_231 : i32 to index
      %get3A_241 = tpu.vector_load %arg21[%get3A_240] {strides = array<i32>} : memref<128xf32, #tpu.memory_space<vmem>>, vector<16xf32>,
      %sub3A_242 = arith.subi %mul3A_213, %mul3A_231 : i32
      %add3A_243 = arith.constant 0 : i32
      %add3A_244 = arith.addi %sub3A_242, %add3A_243 : i32
      %broadcast_in_dim3A_245 = vector.broadcast %add3A_244 : i32 to vector<16xi32>
      %broadcast_in_dim3A_246 = vector.shape_cast %broadcast_in_dim3A_245 : vector<16xi32> to vector<16x1xi32>
      %gather3A_247 = vector.shape_cast %broadcast_in_dim3A_246 : vector<16x1xi32> to vector<16xi32>
      %gather3A_248 = tpu.dynamic_gather %get3A_233[%gather3A_247] in [0] : vector<16xf32>, vector<16xi32> -> vector<16xf32>
      %mul3A_249 = arith.constant -2.000000e+00 : f32
      %mul3A_250 = vector.broadcast %mul3A_249 : f32 to vector<16xf32>
      %mul3A_251 = arith.mulf %gather3A_248, %mul3A_250 : vector<16xf32>
      %sub3A_252 = arith.subi %mul3A_213, %mul3A_231 : i32
      %add3A_253 = arith.constant 1 : i32
      %add3A_254 = arith.addi %sub3A_252, %add3A_253 : i32
      %broadcast_in_dim3A_255 = vector.broadcast %add3A_254 : i32 to vector<16xi32>
      %broadcast_in_dim3A_256 = vector.shape_cast %broadcast_in_dim3A_255 : vector<16xi32> to vector<16x1xi32>
      %gather3A_257 = vector.shape_cast %broadcast_in_dim3A_256 : vector<16x1xi32> to vector<16xi32>
      %gather3A_258 = tpu.dynamic_gather %get3A_233[%gather3A_257] in [0] : vector<16xf32>, vector<16xi32> -> vector<16xf32>
      %mul3A_259 = arith.constant -2.000000e+00 : f32
      %mul3A_260 = vector.broadcast %mul3A_259 : f32 to vector<16xf32>
      %mul3A_261 = arith.mulf %gather3A_258, %mul3A_260 : vector<16xf32>
      %sub3A_262 = arith.subi %mul3A_213, %mul3A_231 : i32
      %add3A_263 = arith.constant 2 : i32
      %add3A_264 = arith.addi %sub3A_262, %add3A_263 : i32
      %broadcast_in_dim3A_265 = vector.broadcast %add3A_264 : i32 to vector<16xi32>
      %broadcast_in_dim3A_266 = vector.shape_cast %broadcast_in_dim3A_265 : vector<16xi32> to vector<16x1xi32>
      %gather3A_267 = vector.shape_cast %broadcast_in_dim3A_266 : vector<16x1xi32> to vector<16xi32>
      %gather3A_268 = tpu.dynamic_gather %get3A_233[%gather3A_267] in [0] : vector<16xf32>, vector<16xi32> -> vector<16xf32>
      %mul3A_269 = arith.constant -2.000000e+00 : f32
      %mul3A_270 = vector.broadcast %mul3A_269 : f32 to vector<16xf32>
      %mul3A_271 = arith.mulf %gather3A_268, %mul3A_270 : vector<16xf32>
      %sub3A_272 = arith.subi %mul3A_213, %mul3A_231 : i32
      %add3A_273 = arith.constant 3 : i32
      %add3A_274 = arith.addi %sub3A_272, %add3A_273 : i32
      %broadcast_in_dim3A_275 = vector.broadcast %add3A_274 : i32 to vector<16xi32>
      %broadcast_in_dim3A_276 = vector.shape_cast %broadcast_in_dim3A_275 : vector<16xi32> to vector<16x1xi32>
      %gather3A_277 = vector.shape_cast %broadcast_in_dim3A_276 : vector<16x1xi32> to vector<16xi32>
      %gather3A_278 = tpu.dynamic_gather %get3A_233[%gather3A_277] in [0] : vector<16xf32>, vector<16xi32> -> vector<16xf32>
      %mul3A_279 = arith.constant -2.000000e+00 : f32
      %mul3A_280 = vector.broadcast %mul3A_279 : f32 to vector<16xf32>
      %mul3A_281 = arith.mulf %gather3A_278, %mul3A_280 : vector<16xf32>
      %sub3A_282 = arith.subi %mul3A_213, %mul3A_231 : i32
      %add3A_283 = arith.constant 0 : i32
      %add3A_284 = arith.addi %sub3A_282, %add3A_283 : i32
      %broadcast_in_dim3A_285 = vector.broadcast %add3A_284 : i32 to vector<16xi32>
      %broadcast_in_dim3A_286 = vector.shape_cast %broadcast_in_dim3A_285 : vector<16xi32> to vector<16x1xi32>
      %gather3A_287 = vector.shape_cast %broadcast_in_dim3A_286 : vector<16x1xi32> to vector<16xi32>
      %gather3A_288 = tpu.dynamic_gather %get3A_235[%gather3A_287] in [0] : vector<16xf32>, vector<16xi32> -> vector<16xf32>
      %mul3A_289 = arith.constant -2.000000e+00 : f32
      %mul3A_290 = vector.broadcast %mul3A_289 : f32 to vector<16xf32>
      %mul3A_291 = arith.mulf %gather3A_288, %mul3A_290 : vector<16xf32>
      %sub3A_292 = arith.subi %mul3A_213, %mul3A_231 : i32
      %add3A_293 = arith.constant 1 : i32
      %add3A_294 = arith.addi %sub3A_292, %add3A_293 : i32
      %broadcast_in_dim3A_295 = vector.broadcast %add3A_294 : i32 to vector<16xi32>
      %broadcast_in_dim3A_296 = vector.shape_cast %broadcast_in_dim3A_295 : vector<16xi32> to vector<16x1xi32>
      %gather3A_297 = vector.shape_cast %broadcast_in_dim3A_296 : vector<16x1xi32> to vector<16xi32>
      %gather3A_298 = tpu.dynamic_gather %get3A_235[%gather3A_297] in [0] : vector<16xf32>, vector<16xi32> -> vector<16xf32>
      %mul3A_299 = arith.constant -2.000000e+00 : f32
      %mul3A_300 = vector.broadcast %mul3A_299 : f32 to vector<16xf32>
      %mul3A_301 = arith.mulf %gather3A_298, %mul3A_300 : vector<16xf32>
      %sub3A_302 = arith.subi %mul3A_213, %mul3A_231 : i32
      %add3A_303 = arith.constant 2 : i32
      %add3A_304 = arith.addi %sub3A_302, %add3A_303 : i32
      %broadcast_in_dim3A_305 = vector.broadcast %add3A_304 : i32 to vector<16xi32>
      %broadcast_in_dim3A_306 = vector.shape_cast %broadcast_in_dim3A_305 : vector<16xi32> to vector<16x1xi32>
      %gather3A_307 = vector.shape_cast %broadcast_in_dim3A_306 : vector<16x1xi32> to vector<16xi32>
      %gather3A_308 = tpu.dynamic_gather %get3A_235[%gather3A_307] in [0] : vector<16xf32>, vector<16xi32> -> vector<16xf32>
      %mul3A_309 = arith.constant -2.000000e+00 : f32
      %mul3A_310 = vector.broadcast %mul3A_309 : f32 to vector<16xf32>
      %mul3A_311 = arith.mulf %gather3A_308, %mul3A_310 : vector<16xf32>
      %sub3A_312 = arith.subi %mul3A_213, %mul3A_231 : i32
      %add3A_313 = arith.constant 3 : i32
      %add3A_314 = arith.addi %sub3A_312, %add3A_313 : i32
      %broadcast_in_dim3A_315 = vector.broadcast %add3A_314 : i32 to vector<16xi32>
      %broadcast_in_dim3A_316 = vector.shape_cast %broadcast_in_dim3A_315 : vector<16xi32> to vector<16x1xi32>
      %gather3A_317 = vector.shape_cast %broadcast_in_dim3A_316 : vector<16x1xi32> to vector<16xi32>
      %gather3A_318 = tpu.dynamic_gather %get3A_235[%gather3A_317] in [0] : vector<16xf32>, vector<16xi32> -> vector<16xf32>
      %mul3A_319 = arith.constant -2.000000e+00 : f32
      %mul3A_320 = vector.broadcast %mul3A_319 : f32 to vector<16xf32>
      %mul3A_321 = arith.mulf %gather3A_318, %mul3A_320 : vector<16xf32>
      %sub3A_322 = arith.subi %mul3A_213, %mul3A_231 : i32
      %add3A_323 = arith.constant 0 : i32
      %add3A_324 = arith.addi %sub3A_322, %add3A_323 : i32
      %broadcast_in_dim3A_325 = vector.broadcast %add3A_324 : i32 to vector<16xi32>
      %broadcast_in_dim3A_326 = vector.shape_cast %broadcast_in_dim3A_325 : vector<16xi32> to vector<16x1xi32>
      %gather3A_327 = vector.shape_cast %broadcast_in_dim3A_326 : vector<16x1xi32> to vector<16xi32>
      %gather3A_328 = tpu.dynamic_gather %get3A_237[%gather3A_327] in [0] : vector<16xf32>, vector<16xi32> -> vector<16xf32>
      %mul3A_329 = arith.constant -2.000000e+00 : f32
      %mul3A_330 = vector.broadcast %mul3A_329 : f32 to vector<16xf32>
      %mul3A_331 = arith.mulf %gather3A_328, %mul3A_330 : vector<16xf32>
      %sub3A_332 = arith.subi %mul3A_213, %mul3A_231 : i32
      %add3A_333 = arith.constant 1 : i32
      %add3A_334 = arith.addi %sub3A_332, %add3A_333 : i32
      %broadcast_in_dim3A_335 = vector.broadcast %add3A_334 : i32 to vector<16xi32>
      %broadcast_in_dim3A_336 = vector.shape_cast %broadcast_in_dim3A_335 : vector<16xi32> to vector<16x1xi32>
      %gather3A_337 = vector.shape_cast %broadcast_in_dim3A_336 : vector<16x1xi32> to vector<16xi32>
      %gather3A_338 = tpu.dynamic_gather %get3A_237[%gather3A_337] in [0] : vector<16xf32>, vector<16xi32> -> vector<16xf32>
      %mul3A_339 = arith.constant -2.000000e+00 : f32
      %mul3A_340 = vector.broadcast %mul3A_339 : f32 to vector<16xf32>
      %mul3A_341 = arith.mulf %gather3A_338, %mul3A_340 : vector<16xf32>
      %sub3A_342 = arith.subi %mul3A_213, %mul3A_231 : i32
      %add3A_343 = arith.constant 2 : i32
      %add3A_344 = arith.addi %sub3A_342, %add3A_343 : i32
      %broadcast_in_dim3A_345 = vector.broadcast %add3A_344 : i32 to vector<16xi32>
      %broadcast_in_dim3A_346 = vector.shape_cast %broadcast_in_dim3A_345 : vector<16xi32> to vector<16x1xi32>
      %gather3A_347 = vector.shape_cast %broadcast_in_dim3A_346 : vector<16x1xi32> to vector<16xi32>
      %gather3A_348 = tpu.dynamic_gather %get3A_237[%gather3A_347] in [0] : vector<16xf32>, vector<16xi32> -> vector<16xf32>
      %mul3A_349 = arith.constant -2.000000e+00 : f32
      %mul3A_350 = vector.broadcast %mul3A_349 : f32 to vector<16xf32>
      %mul3A_351 = arith.mulf %gather3A_348, %mul3A_350 : vector<16xf32>
      %sub3A_352 = arith.subi %mul3A_213, %mul3A_231 : i32
      %add3A_353 = arith.constant 3 : i32
      %add3A_354 = arith.addi %sub3A_352, %add3A_353 : i32
      %broadcast_in_dim3A_355 = vector.broadcast %add3A_354 : i32 to vector<16xi32>
      %broadcast_in_dim3A_356 = vector.shape_cast %broadcast_in_dim3A_355 : vector<16xi32> to vector<16x1xi32>
      %gather3A_357 = vector.shape_cast %broadcast_in_dim3A_356 : vector<16x1xi32> to vector<16xi32>
      %gather3A_358 = tpu.dynamic_gather %get3A_237[%gather3A_357] in [0] : vector<16xf32>, vector<16xi32> -> vector<16xf32>
      %mul3A_359 = arith.constant -2.000000e+00 : f32
      %mul3A_360 = vector.broadcast %mul3A_359 : f32 to vector<16xf32>
      %mul3A_361 = arith.mulf %gather3A_358, %mul3A_360 : vector<16xf32>
      %sub3A_362 = arith.subi %mul3A_213, %mul3A_231 : i32
      %add3A_363 = arith.constant 0 : i32
      %add3A_364 = arith.addi %sub3A_362, %add3A_363 : i32
      %broadcast_in_dim3A_365 = vector.broadcast %add3A_364 : i32 to vector<16xi32>
      %broadcast_in_dim3A_366 = vector.shape_cast %broadcast_in_dim3A_365 : vector<16xi32> to vector<16x1xi32>
      %gather3A_367 = vector.shape_cast %broadcast_in_dim3A_366 : vector<16x1xi32> to vector<16xi32>
      %gather3A_368 = tpu.dynamic_gather %get3A_239[%gather3A_367] in [0] : vector<16xf32>, vector<16xi32> -> vector<16xf32>
      %sub3A_369 = arith.subi %mul3A_213, %mul3A_231 : i32
      %add3A_370 = arith.constant 1 : i32
      %add3A_371 = arith.addi %sub3A_369, %add3A_370 : i32
      %broadcast_in_dim3A_372 = vector.broadcast %add3A_371 : i32 to vector<16xi32>
      %broadcast_in_dim3A_373 = vector.shape_cast %broadcast_in_dim3A_372 : vector<16xi32> to vector<16x1xi32>
      %gather3A_374 = vector.shape_cast %broadcast_in_dim3A_373 : vector<16x1xi32> to vector<16xi32>
      %gather3A_375 = tpu.dynamic_gather %get3A_239[%gather3A_374] in [0] : vector<16xf32>, vector<16xi32> -> vector<16xf32>
      %sub3A_376 = arith.subi %mul3A_213, %mul3A_231 : i32
      %add3A_377 = arith.constant 2 : i32
      %add3A_378 = arith.addi %sub3A_376, %add3A_377 : i32
      %broadcast_in_dim3A_379 = vector.broadcast %add3A_378 : i32 to vector<16xi32>
      %broadcast_in_dim3A_380 = vector.shape_cast %broadcast_in_dim3A_379 : vector<16xi32> to vector<16x1xi32>
      %gather3A_381 = vector.shape_cast %broadcast_in_dim3A_380 : vector<16x1xi32> to vector<16xi32>
      %gather3A_382 = tpu.dynamic_gather %get3A_239[%gather3A_381] in [0] : vector<16xf32>, vector<16xi32> -> vector<16xf32>
      %sub3A_383 = arith.subi %mul3A_213, %mul3A_231 : i32
      %add3A_384 = arith.constant 3 : i32
      %add3A_385 = arith.addi %sub3A_383, %add3A_384 : i32
      %broadcast_in_dim3A_386 = vector.broadcast %add3A_385 : i32 to vector<16xi32>
      %broadcast_in_dim3A_387 = vector.shape_cast %broadcast_in_dim3A_386 : vector<16xi32> to vector<16x1xi32>
      %gather3A_388 = vector.shape_cast %broadcast_in_dim3A_387 : vector<16x1xi32> to vector<16xi32>
      %gather3A_389 = tpu.dynamic_gather %get3A_239[%gather3A_388] in [0] : vector<16xf32>, vector<16xi32> -> vector<16xf32>
      %broadcast_in_dim3A_390 = arith.constant 4.000000e+10 : f32
      %broadcast_in_dim3A_391 = vector.broadcast %broadcast_in_dim3A_390 : f32 to vector<16xf32>
      %broadcast_in_dim3A_392 = arith.constant 4.000000e+10 : f32
      %broadcast_in_dim3A_393 = vector.broadcast %broadcast_in_dim3A_392 : f32 to vector<16xf32>
      %broadcast_in_dim3A_394 = arith.constant 4.000000e+10 : f32
      %broadcast_in_dim3A_395 = vector.broadcast %broadcast_in_dim3A_394 : f32 to vector<16xf32>
      %broadcast_in_dim3A_396 = arith.constant 4.000000e+10 : f32
      %broadcast_in_dim3A_397 = vector.broadcast %broadcast_in_dim3A_396 : f32 to vector<16xf32>
      %parallel_loop3A_398 = arith.constant 0 : i32
      %parallel_loop3A_399 = arith.constant 256 : i32
      %parallel_loop3A_400 = arith.constant 1 : i32
      %parallel_loop3A_401:4 = scf.for %parallel_loop3A_458 = %parallel_loop3A_398 to %parallel_loop3A_399 step %parallel_loop3A_400 iter_args(%parallel_loop3A_459 = %broadcast_in_dim3A_391, %parallel_loop3A_460 = %broadcast_in_dim3A_393, %parallel_loop3A_461 = %broadcast_in_dim3A_395, %parallel_loop3A_462 = %broadcast_in_dim3A_397) -> (vector<16xf32>, vector<16xf32>, vector<16xf32>, vector<16xf32>)  : i32 {
        %parallel_loop3A_463 = arith.constant 16 : i32
        %parallel_loop3A_464 = arith.muli %parallel_loop3A_458, %parallel_loop3A_463 : i32
        %parallel_loop3A_465 = arith.index_cast %parallel_loop3A_464 : i32 to index
        %parallel_loop3A_466 = tpu.vector_load %arg13[%parallel_loop3A_465] {strides = array<i32>} : memref<4096xf32, #tpu.memory_space<vmem>>, vector<16xf32>,
        %parallel_loop3A_467 = arith.index_cast %parallel_loop3A_464 : i32 to index
        %parallel_loop3A_468 = tpu.vector_load %arg14[%parallel_loop3A_467] {strides = array<i32>} : memref<4096xf32, #tpu.memory_space<vmem>>, vector<16xf32>,
        %parallel_loop3A_469 = arith.index_cast %parallel_loop3A_464 : i32 to index
        %parallel_loop3A_470 = tpu.vector_load %arg15[%parallel_loop3A_469] {strides = array<i32>} : memref<4096xf32, #tpu.memory_space<vmem>>, vector<16xf32>,
        %parallel_loop3A_471 = arith.index_cast %parallel_loop3A_464 : i32 to index
        %parallel_loop3A_472 = tpu.vector_load %arg16[%parallel_loop3A_471] {strides = array<i32>} : memref<4096xf32, #tpu.memory_space<vmem>>, vector<16xf32>,
        %parallel_loop3A_473 = arith.mulf %mul3A_251, %parallel_loop3A_466 : vector<16xf32>
        %parallel_loop3A_474 = arith.addf %parallel_loop3A_472, %parallel_loop3A_473 : vector<16xf32>
        %parallel_loop3A_475 = arith.mulf %mul3A_291, %parallel_loop3A_468 : vector<16xf32>
        %parallel_loop3A_476 = arith.addf %parallel_loop3A_474, %parallel_loop3A_475 : vector<16xf32>
        %parallel_loop3A_477 = arith.mulf %mul3A_331, %parallel_loop3A_470 : vector<16xf32>
        %parallel_loop3A_478 = arith.addf %parallel_loop3A_476, %parallel_loop3A_477 : vector<16xf32>
        %parallel_loop3A_479 = arith.addf %parallel_loop3A_478, %gather3A_368 : vector<16xf32>
        %parallel_loop3A_480 = arith.minimumf %parallel_loop3A_459, %parallel_loop3A_479 : vector<16xf32>
        %parallel_loop3A_481 = arith.mulf %mul3A_261, %parallel_loop3A_466 : vector<16xf32>
        %parallel_loop3A_482 = arith.addf %parallel_loop3A_472, %parallel_loop3A_481 : vector<16xf32>
        %parallel_loop3A_483 = arith.mulf %mul3A_301, %parallel_loop3A_468 : vector<16xf32>
        %parallel_loop3A_484 = arith.addf %parallel_loop3A_482, %parallel_loop3A_483 : vector<16xf32>
        %parallel_loop3A_485 = arith.mulf %mul3A_341, %parallel_loop3A_470 : vector<16xf32>
        %parallel_loop3A_486 = arith.addf %parallel_loop3A_484, %parallel_loop3A_485 : vector<16xf32>
        %parallel_loop3A_487 = arith.addf %parallel_loop3A_486, %gather3A_375 : vector<16xf32>
        %parallel_loop3A_488 = arith.minimumf %parallel_loop3A_460, %parallel_loop3A_487 : vector<16xf32>
        %parallel_loop3A_489 = arith.mulf %mul3A_271, %parallel_loop3A_466 : vector<16xf32>
        %parallel_loop3A_490 = arith.addf %parallel_loop3A_472, %parallel_loop3A_489 : vector<16xf32>
        %parallel_loop3A_491 = arith.mulf %mul3A_311, %parallel_loop3A_468 : vector<16xf32>
        %parallel_loop3A_492 = arith.addf %parallel_loop3A_490, %parallel_loop3A_491 : vector<16xf32>
        %parallel_loop3A_493 = arith.mulf %mul3A_351, %parallel_loop3A_470 : vector<16xf32>
        %parallel_loop3A_494 = arith.addf %parallel_loop3A_492, %parallel_loop3A_493 : vector<16xf32>
        %parallel_loop3A_495 = arith.addf %parallel_loop3A_494, %gather3A_382 : vector<16xf32>
        %parallel_loop3A_496 = arith.minimumf %parallel_loop3A_461, %parallel_loop3A_495 : vector<16xf32>
        %parallel_loop3A_497 = arith.mulf %mul3A_281, %parallel_loop3A_466 : vector<16xf32>
        %parallel_loop3A_498 = arith.addf %parallel_loop3A_472, %parallel_loop3A_497 : vector<16xf32>
        %parallel_loop3A_499 = arith.mulf %mul3A_321, %parallel_loop3A_468 : vector<16xf32>
        %parallel_loop3A_500 = arith.addf %parallel_loop3A_498, %parallel_loop3A_499 : vector<16xf32>
        %parallel_loop3A_501 = arith.mulf %mul3A_361, %parallel_loop3A_470 : vector<16xf32>
        %parallel_loop3A_502 = arith.addf %parallel_loop3A_500, %parallel_loop3A_501 : vector<16xf32>
        %parallel_loop3A_503 = arith.addf %parallel_loop3A_502, %gather3A_389 : vector<16xf32>
        %parallel_loop3A_504 = arith.minimumf %parallel_loop3A_462, %parallel_loop3A_503 : vector<16xf32>
        %parallel_loop3A_505 = arith.minimumf %parallel_loop3A_479, %parallel_loop3A_487 : vector<16xf32>
        %parallel_loop3A_506 = arith.minimumf %parallel_loop3A_495, %parallel_loop3A_503 : vector<16xf32>
        %parallel_loop3A_507 = arith.minimumf %parallel_loop3A_505, %parallel_loop3A_506 : vector<16xf32>
        %parallel_loop3A_508 = arith.index_cast %parallel_loop3A_464 : i32 to index
        %parallel_loop3A_509 = tpu.vector_load %arg22[%parallel_loop3A_508] {strides = array<i32>} : memref<4096xf32, #tpu.memory_space<vmem>>, vector<16xf32>,
        %parallel_loop3A_510 = arith.minimumf %parallel_loop3A_509, %parallel_loop3A_507 : vector<16xf32>
        %parallel_loop3A_511 = arith.index_cast %parallel_loop3A_464 : i32 to index
        %parallel_loop3A_512 = tpu.vector_load %arg22[%parallel_loop3A_511] {strides = array<i32>} : memref<4096xf32, #tpu.memory_space<vmem>>, vector<16xf32>,
        tpu.vector_store %arg22[%parallel_loop3A_511], %parallel_loop3A_510 {strides = array<i32>} : memref<4096xf32, #tpu.memory_space<vmem>>, vector<16xf32>,
        scf.yield %parallel_loop3A_480, %parallel_loop3A_488, %parallel_loop3A_496, %parallel_loop3A_504 : vector<16xf32>, vector<16xf32>, vector<16xf32>, vector<16xf32>
      } {sc.loop_unroll_factor = 2 : i64, sc.parallel_access}
      %sub3A_402 = arith.subi %mul3A_213, %mul3A_231 : i32
      %add3A_403 = arith.constant 0 : i32
      %add3A_404 = arith.addi %sub3A_402, %add3A_403 : i32
      %broadcast_in_dim3A_405 = vector.broadcast %add3A_404 : i32 to vector<16xi32>
      %broadcast_in_dim3A_406 = vector.shape_cast %broadcast_in_dim3A_405 : vector<16xi32> to vector<16x1xi32>
      %gather3A_407 = vector.shape_cast %broadcast_in_dim3A_406 : vector<16x1xi32> to vector<16xi32>
      %gather3A_408 = tpu.dynamic_gather %get3A_241[%gather3A_407] in [0] : vector<16xf32>, vector<16xi32> -> vector<16xf32>
      %reduce_min3A_409 = arith.constant true
      %reduce_min3A_410 = vector.broadcast %reduce_min3A_409 : i1 to vector<16xi1>
      %reduce_min3A_411 = tpu.scan <min>, %parallel_loop3A_401#0 masked %reduce_min3A_410 : vector<16xf32>, vector<16xi1> -> vector<16xf32>
      %reduce_min3A_412 = vector.extract %reduce_min3A_411[15] : f32 from vector<16xf32>
      %mul3A_413 = vector.broadcast %reduce_min3A_412 : f32 to vector<16xf32>
      %mul3A_414 = arith.mulf %gather3A_408, %mul3A_413 : vector<16xf32>
      %add3A_415 = arith.addf %scan3A_211, %mul3A_414 : vector<16xf32>
      %sub3A_416 = arith.subi %mul3A_213, %mul3A_231 : i32
      %add3A_417 = arith.constant 1 : i32
      %add3A_418 = arith.addi %sub3A_416, %add3A_417 : i32
      %broadcast_in_dim3A_419 = vector.broadcast %add3A_418 : i32 to vector<16xi32>
      %broadcast_in_dim3A_420 = vector.shape_cast %broadcast_in_dim3A_419 : vector<16xi32> to vector<16x1xi32>
      %gather3A_421 = vector.shape_cast %broadcast_in_dim3A_420 : vector<16x1xi32> to vector<16xi32>
      %gather3A_422 = tpu.dynamic_gather %get3A_241[%gather3A_421] in [0] : vector<16xf32>, vector<16xi32> -> vector<16xf32>
      %reduce_min3A_423 = arith.constant true
      %reduce_min3A_424 = vector.broadcast %reduce_min3A_423 : i1 to vector<16xi1>
      %reduce_min3A_425 = tpu.scan <min>, %parallel_loop3A_401#1 masked %reduce_min3A_424 : vector<16xf32>, vector<16xi1> -> vector<16xf32>
      %reduce_min3A_426 = vector.extract %reduce_min3A_425[15] : f32 from vector<16xf32>
      %mul3A_427 = vector.broadcast %reduce_min3A_426 : f32 to vector<16xf32>
      %mul3A_428 = arith.mulf %gather3A_422, %mul3A_427 : vector<16xf32>
      %add3A_429 = arith.addf %add3A_415, %mul3A_428 : vector<16xf32>
      %sub3A_430 = arith.subi %mul3A_213, %mul3A_231 : i32
      %add3A_431 = arith.constant 2 : i32
      %add3A_432 = arith.addi %sub3A_430, %add3A_431 : i32
      %broadcast_in_dim3A_433 = vector.broadcast %add3A_432 : i32 to vector<16xi32>
      %broadcast_in_dim3A_434 = vector.shape_cast %broadcast_in_dim3A_433 : vector<16xi32> to vector<16x1xi32>
      %gather3A_435 = vector.shape_cast %broadcast_in_dim3A_434 : vector<16x1xi32> to vector<16xi32>
      %gather3A_436 = tpu.dynamic_gather %get3A_241[%gather3A_435] in [0] : vector<16xf32>, vector<16xi32> -> vector<16xf32>
      %reduce_min3A_437 = arith.constant true
      %reduce_min3A_438 = vector.broadcast %reduce_min3A_437 : i1 to vector<16xi1>
      %reduce_min3A_439 = tpu.scan <min>, %parallel_loop3A_401#2 masked %reduce_min3A_438 : vector<16xf32>, vector<16xi1> -> vector<16xf32>
      %reduce_min3A_440 = vector.extract %reduce_min3A_439[15] : f32 from vector<16xf32>
      %mul3A_441 = vector.broadcast %reduce_min3A_440 : f32 to vector<16xf32>
      %mul3A_442 = arith.mulf %gather3A_436, %mul3A_441 : vector<16xf32>
      %add3A_443 = arith.addf %add3A_429, %mul3A_442 : vector<16xf32>
      %sub3A_444 = arith.subi %mul3A_213, %mul3A_231 : i32
      %add3A_445 = arith.constant 3 : i32
      %add3A_446 = arith.addi %sub3A_444, %add3A_445 : i32
      %broadcast_in_dim3A_447 = vector.broadcast %add3A_446 : i32 to vector<16xi32>
      %broadcast_in_dim3A_448 = vector.shape_cast %broadcast_in_dim3A_447 : vector<16xi32> to vector<16x1xi32>
      %gather3A_449 = vector.shape_cast %broadcast_in_dim3A_448 : vector<16x1xi32> to vector<16xi32>
      %gather3A_450 = tpu.dynamic_gather %get3A_241[%gather3A_449] in [0] : vector<16xf32>, vector<16xi32> -> vector<16xf32>
      %reduce_min3A_451 = arith.constant true
      %reduce_min3A_452 = vector.broadcast %reduce_min3A_451 : i1 to vector<16xi1>
      %reduce_min3A_453 = tpu.scan <min>, %parallel_loop3A_401#3 masked %reduce_min3A_452 : vector<16xf32>, vector<16xi1> -> vector<16xf32>
      %reduce_min3A_454 = vector.extract %reduce_min3A_453[15] : f32 from vector<16xf32>
      %mul3A_455 = vector.broadcast %reduce_min3A_454 : f32 to vector<16xf32>
      %mul3A_456 = arith.mulf %gather3A_450, %mul3A_455 : vector<16xf32>
      %add3A_457 = arith.addf %add3A_443, %mul3A_456 : vector<16xf32>
      scf.yield %add3A_457 : vector<16xf32>
    }
    %scan3A_208 = arith.constant 31 : i32
    %swap3A = arith.constant 0 : index
    %swap3A_209 = tpu.vector_load %arg23[%swap3A] {strides = array<i32>} : memref<16xf32, #tpu.memory_space<vmem>>, vector<16xf32>,
    tpu.vector_store %arg23[%swap3A], %scan3A_207 {strides = array<i32>} : memref<16xf32, #tpu.memory_space<vmem>>, vector<16xf32>,
    "tpu.region"() ({
      %run_scoped3A = tpu.sem_alloc : memref<!tpu.dma_semaphore, #tpu.memory_space<semaphore_mem>>
      %dma_start3A_210 = arith.constant 0 : i32
      %dma_start3A_211 = tpu.memref_slice %arg11[%add3A, %dma_start3A_210] : memref<32x16xf32, #tpu.memory_space<hbm>> -> memref<1x16xf32, #tpu.memory_space<hbm>>
      %dma_start3A_212 = tpu.memref_squeeze %dma_start3A_211 : memref<1x16xf32, #tpu.memory_space<hbm>> -> memref<16xf32, #tpu.memory_space<hbm>>
      %dma_start3A_213 = arith.constant 0 : i32
      %dma_start3A_214 = tpu.memref_slice %arg11[%add3A, %dma_start3A_213] : memref<32x16xf32, #tpu.memory_space<hbm>> -> memref<1x16xf32, #tpu.memory_space<hbm>>
      %dma_start3A_215 = tpu.memref_squeeze %dma_start3A_214 : memref<1x16xf32, #tpu.memory_space<hbm>> -> memref<16xf32, #tpu.memory_space<hbm>>
      tpu.enqueue_dma source(%arg23 : memref<16xf32, #tpu.memory_space<vmem>>) target(%dma_start3A_215 : memref<16xf32, #tpu.memory_space<hbm>>) target_semaphore(%run_scoped3A : memref<!tpu.dma_semaphore, #tpu.memory_space<semaphore_mem>>)
      %dma_wait3A_216 = arith.constant 0 : i32
      %dma_wait3A_217 = tpu.memref_slice %arg11[%add3A, %dma_wait3A_216] : memref<32x16xf32, #tpu.memory_space<hbm>> -> memref<1x16xf32, #tpu.memory_space<hbm>>
      %dma_wait3A_218 = tpu.memref_squeeze %dma_wait3A_217 : memref<1x16xf32, #tpu.memory_space<hbm>> -> memref<16xf32, #tpu.memory_space<hbm>>
      %dma_wait3A_219 = arith.constant 0 : i32
      %dma_wait3A_220 = tpu.memref_slice %arg11[%add3A, %dma_wait3A_219] : memref<32x16xf32, #tpu.memory_space<hbm>> -> memref<1x16xf32, #tpu.memory_space<hbm>>
      %dma_wait3A_221 = tpu.memref_squeeze %dma_wait3A_220 : memref<1x16xf32, #tpu.memory_space<hbm>> -> memref<16xf32, #tpu.memory_space<hbm>>
      tpu.wait_dma2 semaphore(%run_scoped3A : memref<!tpu.dma_semaphore, #tpu.memory_space<semaphore_mem>>) src(%arg23 : memref<16xf32, #tpu.memory_space<vmem>>) dst(%dma_wait3A_221 : memref<16xf32, #tpu.memory_space<hbm>>)
      tpu.yield
    }) : () -> ()
    "tpu.region"() ({
      %run_scoped3A = tpu.sem_alloc : memref<!tpu.dma_semaphore, #tpu.memory_space<semaphore_mem>>
      %dma_start3A_210 = arith.constant 0 : i32
      %dma_start3A_211 = tpu.memref_slice %arg12[%add3A, %dma_start3A_210] : memref<32x4096xf32, #tpu.memory_space<hbm>> -> memref<1x4096xf32, #tpu.memory_space<hbm>>
      %dma_start3A_212 = tpu.memref_squeeze %dma_start3A_211 : memref<1x4096xf32, #tpu.memory_space<hbm>> -> memref<4096xf32, #tpu.memory_space<hbm>>
      %dma_start3A_213 = arith.constant 0 : i32
      %dma_start3A_214 = tpu.memref_slice %arg12[%add3A, %dma_start3A_213] : memref<32x4096xf32, #tpu.memory_space<hbm>> -> memref<1x4096xf32, #tpu.memory_space<hbm>>
      %dma_start3A_215 = tpu.memref_squeeze %dma_start3A_214 : memref<1x4096xf32, #tpu.memory_space<hbm>> -> memref<4096xf32, #tpu.memory_space<hbm>>
      tpu.enqueue_dma source(%arg22 : memref<4096xf32, #tpu.memory_space<vmem>>) target(%dma_start3A_215 : memref<4096xf32, #tpu.memory_space<hbm>>) target_semaphore(%run_scoped3A : memref<!tpu.dma_semaphore, #tpu.memory_space<semaphore_mem>>)
      %dma_wait3A_216 = arith.constant 0 : i32
      %dma_wait3A_217 = tpu.memref_slice %arg12[%add3A, %dma_wait3A_216] : memref<32x4096xf32, #tpu.memory_space<hbm>> -> memref<1x4096xf32, #tpu.memory_space<hbm>>
      %dma_wait3A_218 = tpu.memref_squeeze %dma_wait3A_217 : memref<1x4096xf32, #tpu.memory_space<hbm>> -> memref<4096xf32, #tpu.memory_space<hbm>>
      %dma_wait3A_219 = arith.constant 0 : i32
      %dma_wait3A_220 = tpu.memref_slice %arg12[%add3A, %dma_wait3A_219] : memref<32x4096xf32, #tpu.memory_space<hbm>> -> memref<1x4096xf32, #tpu.memory_space<hbm>>
      %dma_wait3A_221 = tpu.memref_squeeze %dma_wait3A_220 : memref<1x4096xf32, #tpu.memory_space<hbm>> -> memref<4096xf32, #tpu.memory_space<hbm>>
      tpu.wait_dma2 semaphore(%run_scoped3A : memref<!tpu.dma_semaphore, #tpu.memory_space<semaphore_mem>>) src(%arg22 : memref<4096xf32, #tpu.memory_space<vmem>>) dst(%dma_wait3A_221 : memref<4096xf32, #tpu.memory_space<hbm>>)
      tpu.yield
    }) : () -> ()
    return
  }
}

module attributes {stable_mosaic.version = 14 : i64} {
  func.func @_prep_body(%arg0: memref<64x64xf32, #tpu.memory_space<vmem>>, %arg1: memref<64x64xf32, #tpu.memory_space<vmem>>, %arg2: memref<64x64xf32, #tpu.memory_space<vmem>>, %arg3: memref<64x64xf32, #tpu.memory_space<vmem>>, %arg4: memref<64x64xf32, #tpu.memory_space<vmem>>, %arg5: memref<64x64xf32, #tpu.memory_space<vmem>>, %arg6: memref<64x64xf32, #tpu.memory_space<vmem>>, %arg7: memref<64x64xf32, #tpu.memory_space<vmem>>, %arg8: memref<64x64xf32, #tpu.memory_space<vmem>>, %arg9: memref<64x64xf32, #tpu.memory_space<vmem>>, %arg10: memref<64x64xf32, #tpu.memory_space<vmem>>) attributes {dimension_semantics = [], scalar_prefetch = 0 : i64, scratch_operands = 0 : i64, tpu.core_type = #tpu.core_type<tc>} {
    %get3A = arith.constant 0 : index
    %get3A_0 = arith.constant 0 : index
    %get3A_1 = vector.load %arg0[%get3A, %get3A_0] : memref<64x64xf32, #tpu.memory_space<vmem>>, vector<64x64xf32>
    %get3A_2 = arith.constant 0 : index
    %get3A_3 = arith.constant 0 : index
    %get3A_4 = vector.load %arg1[%get3A_2, %get3A_3] : memref<64x64xf32, #tpu.memory_space<vmem>>, vector<64x64xf32>
    %iota3A = tpu.iota {dimensions = array<i32: 1>} : vector<64x64xi32>
    %convert_element_type3A = arith.sitofp %iota3A : vector<64x64xi32> to vector<64x64xf32>
    %iota3A_5 = tpu.iota {dimensions = array<i32: 0>} : vector<64x64xi32>
    %convert_element_type3A_6 = arith.sitofp %iota3A_5 : vector<64x64xi32> to vector<64x64xf32>
    %gt3A = arith.constant 0.000000e+00 : f32
    %gt3A_7 = vector.broadcast %gt3A : f32 to vector<64x64xf32>
    %gt3A_8 = arith.cmpf ogt, %get3A_1, %gt3A_7 : vector<64x64xf32>
    %jit3A = arith.constant 0.000000e+00 : f32
    %jit3A_9 = arith.constant 1.000000e+10 : f32
    %broadcast_in_dim3A = vector.broadcast %jit3A : f32 to vector<64x64xf32>
    %broadcast_in_dim3A_10 = vector.broadcast %jit3A_9 : f32 to vector<64x64xf32>
    %select_n3A = arith.select %gt3A_8, %broadcast_in_dim3A, %broadcast_in_dim3A_10 : vector<64x64xi1>, vector<64x64xf32>
    %add3A = arith.constant 0.002745884 : f32
    %add3A_11 = vector.broadcast %add3A : f32 to vector<64x64xf32>
    %add3A_12 = arith.addf %get3A_1, %add3A_11 : vector<64x64xf32>
    %mul3A = arith.mulf %convert_element_type3A, %add3A_12 : vector<64x64xf32>
    %mul3A_13 = arith.constant 609.559326 : f32
    %mul3A_14 = vector.broadcast %mul3A_13 : f32 to vector<64x64xf32>
    %mul3A_15 = arith.mulf %mul3A_14, %get3A_1 : vector<64x64xf32>
    %add3A_16 = arith.constant 44.8572807 : f32
    %add3A_17 = vector.broadcast %add3A_16 : f32 to vector<64x64xf32>
    %add3A_18 = arith.addf %mul3A_15, %add3A_17 : vector<64x64xf32>
    %sub3A = arith.subf %mul3A, %add3A_18 : vector<64x64xf32>
    %div3A = arith.constant 721.53772 : f32
    %div3A_19 = vector.broadcast %div3A : f32 to vector<64x64xf32>
    %div3A_20 = arith.divf %sub3A, %div3A_19 : vector<64x64xf32>
    %add3A_21 = arith.constant 0.002745884 : f32
    %add3A_22 = vector.broadcast %add3A_21 : f32 to vector<64x64xf32>
    %add3A_23 = arith.addf %get3A_1, %add3A_22 : vector<64x64xf32>
    %mul3A_24 = arith.mulf %convert_element_type3A_6, %add3A_23 : vector<64x64xf32>
    %mul3A_25 = arith.constant 1.728540e+02 : f32
    %mul3A_26 = vector.broadcast %mul3A_25 : f32 to vector<64x64xf32>
    %mul3A_27 = arith.mulf %mul3A_26, %get3A_1 : vector<64x64xf32>
    %add3A_28 = arith.constant 0.216379106 : f32
    %add3A_29 = vector.broadcast %add3A_28 : f32 to vector<64x64xf32>
    %add3A_30 = arith.addf %mul3A_27, %add3A_29 : vector<64x64xf32>
    %sub3A_31 = arith.subf %mul3A_24, %add3A_30 : vector<64x64xf32>
    %div3A_32 = arith.constant 721.53772 : f32
    %div3A_33 = vector.broadcast %div3A_32 : f32 to vector<64x64xf32>
    %div3A_34 = arith.divf %sub3A_31, %div3A_33 : vector<64x64xf32>
    %convert_element_type3A_35 = arith.truncf %div3A_20 : vector<64x64xf32> to vector<64x64xbf16>
    %convert_element_type3A_36 = arith.extf %convert_element_type3A_35 : vector<64x64xbf16> to vector<64x64xf32>
    %swap3A = arith.constant 0 : index
    %swap3A_37 = arith.constant 0 : index
    %swap3A_38 = vector.load %arg2[%swap3A, %swap3A_37] : memref<64x64xf32, #tpu.memory_space<vmem>>, vector<64x64xf32>
    tpu.vector_store %arg2[%swap3A, %swap3A_37], %convert_element_type3A_36 {strides = array<i32>} : memref<64x64xf32, #tpu.memory_space<vmem>>, vector<64x64xf32>,
    %convert_element_type3A_39 = arith.truncf %div3A_34 : vector<64x64xf32> to vector<64x64xbf16>
    %convert_element_type3A_40 = arith.extf %convert_element_type3A_39 : vector<64x64xbf16> to vector<64x64xf32>
    %swap3A_41 = arith.constant 0 : index
    %swap3A_42 = arith.constant 0 : index
    %swap3A_43 = vector.load %arg3[%swap3A_41, %swap3A_42] : memref<64x64xf32, #tpu.memory_space<vmem>>, vector<64x64xf32>
    tpu.vector_store %arg3[%swap3A_41, %swap3A_42], %convert_element_type3A_40 {strides = array<i32>} : memref<64x64xf32, #tpu.memory_space<vmem>>, vector<64x64xf32>,
    %convert_element_type3A_44 = arith.truncf %get3A_1 : vector<64x64xf32> to vector<64x64xbf16>
    %convert_element_type3A_45 = arith.extf %convert_element_type3A_44 : vector<64x64xbf16> to vector<64x64xf32>
    %swap3A_46 = arith.constant 0 : index
    %swap3A_47 = arith.constant 0 : index
    %swap3A_48 = vector.load %arg4[%swap3A_46, %swap3A_47] : memref<64x64xf32, #tpu.memory_space<vmem>>, vector<64x64xf32>
    tpu.vector_store %arg4[%swap3A_46, %swap3A_47], %convert_element_type3A_45 {strides = array<i32>} : memref<64x64xf32, #tpu.memory_space<vmem>>, vector<64x64xf32>,
    %mul3A_49 = arith.mulf %div3A_20, %div3A_20 : vector<64x64xf32>
    %mul3A_50 = arith.mulf %div3A_34, %div3A_34 : vector<64x64xf32>
    %add3A_51 = arith.addf %mul3A_49, %mul3A_50 : vector<64x64xf32>
    %mul3A_52 = arith.mulf %get3A_1, %get3A_1 : vector<64x64xf32>
    %add3A_53 = arith.addf %add3A_51, %mul3A_52 : vector<64x64xf32>
    %add3A_54 = arith.addf %add3A_53, %select_n3A : vector<64x64xf32>
    %swap3A_55 = arith.constant 0 : index
    %swap3A_56 = arith.constant 0 : index
    %swap3A_57 = vector.load %arg5[%swap3A_55, %swap3A_56] : memref<64x64xf32, #tpu.memory_space<vmem>>, vector<64x64xf32>
    tpu.vector_store %arg5[%swap3A_55, %swap3A_56], %add3A_54 {strides = array<i32>} : memref<64x64xf32, #tpu.memory_space<vmem>>, vector<64x64xf32>,
    %add3A_58 = arith.constant 0.002745884 : f32
    %add3A_59 = vector.broadcast %add3A_58 : f32 to vector<64x64xf32>
    %add3A_60 = arith.addf %get3A_4, %add3A_59 : vector<64x64xf32>
    %mul3A_61 = arith.mulf %convert_element_type3A, %add3A_60 : vector<64x64xf32>
    %mul3A_62 = arith.constant 609.559326 : f32
    %mul3A_63 = vector.broadcast %mul3A_62 : f32 to vector<64x64xf32>
    %mul3A_64 = arith.mulf %mul3A_63, %get3A_4 : vector<64x64xf32>
    %add3A_65 = arith.constant 44.8572807 : f32
    %add3A_66 = vector.broadcast %add3A_65 : f32 to vector<64x64xf32>
    %add3A_67 = arith.addf %mul3A_64, %add3A_66 : vector<64x64xf32>
    %sub3A_68 = arith.subf %mul3A_61, %add3A_67 : vector<64x64xf32>
    %div3A_69 = arith.constant 721.53772 : f32
    %div3A_70 = vector.broadcast %div3A_69 : f32 to vector<64x64xf32>
    %div3A_71 = arith.divf %sub3A_68, %div3A_70 : vector<64x64xf32>
    %add3A_72 = arith.constant 0.002745884 : f32
    %add3A_73 = vector.broadcast %add3A_72 : f32 to vector<64x64xf32>
    %add3A_74 = arith.addf %get3A_4, %add3A_73 : vector<64x64xf32>
    %mul3A_75 = arith.mulf %convert_element_type3A_6, %add3A_74 : vector<64x64xf32>
    %mul3A_76 = arith.constant 1.728540e+02 : f32
    %mul3A_77 = vector.broadcast %mul3A_76 : f32 to vector<64x64xf32>
    %mul3A_78 = arith.mulf %mul3A_77, %get3A_4 : vector<64x64xf32>
    %add3A_79 = arith.constant 0.216379106 : f32
    %add3A_80 = vector.broadcast %add3A_79 : f32 to vector<64x64xf32>
    %add3A_81 = arith.addf %mul3A_78, %add3A_80 : vector<64x64xf32>
    %sub3A_82 = arith.subf %mul3A_75, %add3A_81 : vector<64x64xf32>
    %div3A_83 = arith.constant 721.53772 : f32
    %div3A_84 = vector.broadcast %div3A_83 : f32 to vector<64x64xf32>
    %div3A_85 = arith.divf %sub3A_82, %div3A_84 : vector<64x64xf32>
    %convert_element_type3A_86 = arith.truncf %div3A_71 : vector<64x64xf32> to vector<64x64xbf16>
    %convert_element_type3A_87 = arith.extf %convert_element_type3A_86 : vector<64x64xbf16> to vector<64x64xf32>
    %swap3A_88 = arith.constant 0 : index
    %swap3A_89 = arith.constant 0 : index
    %swap3A_90 = vector.load %arg6[%swap3A_88, %swap3A_89] : memref<64x64xf32, #tpu.memory_space<vmem>>, vector<64x64xf32>
    tpu.vector_store %arg6[%swap3A_88, %swap3A_89], %convert_element_type3A_87 {strides = array<i32>} : memref<64x64xf32, #tpu.memory_space<vmem>>, vector<64x64xf32>,
    %convert_element_type3A_91 = arith.truncf %div3A_85 : vector<64x64xf32> to vector<64x64xbf16>
    %convert_element_type3A_92 = arith.extf %convert_element_type3A_91 : vector<64x64xbf16> to vector<64x64xf32>
    %swap3A_93 = arith.constant 0 : index
    %swap3A_94 = arith.constant 0 : index
    %swap3A_95 = vector.load %arg7[%swap3A_93, %swap3A_94] : memref<64x64xf32, #tpu.memory_space<vmem>>, vector<64x64xf32>
    tpu.vector_store %arg7[%swap3A_93, %swap3A_94], %convert_element_type3A_92 {strides = array<i32>} : memref<64x64xf32, #tpu.memory_space<vmem>>, vector<64x64xf32>,
    %convert_element_type3A_96 = arith.truncf %get3A_4 : vector<64x64xf32> to vector<64x64xbf16>
    %convert_element_type3A_97 = arith.extf %convert_element_type3A_96 : vector<64x64xbf16> to vector<64x64xf32>
    %swap3A_98 = arith.constant 0 : index
    %swap3A_99 = arith.constant 0 : index
    %swap3A_100 = vector.load %arg8[%swap3A_98, %swap3A_99] : memref<64x64xf32, #tpu.memory_space<vmem>>, vector<64x64xf32>
    tpu.vector_store %arg8[%swap3A_98, %swap3A_99], %convert_element_type3A_97 {strides = array<i32>} : memref<64x64xf32, #tpu.memory_space<vmem>>, vector<64x64xf32>,
    %mul3A_101 = arith.mulf %div3A_71, %div3A_71 : vector<64x64xf32>
    %mul3A_102 = arith.mulf %div3A_85, %div3A_85 : vector<64x64xf32>
    %add3A_103 = arith.addf %mul3A_101, %mul3A_102 : vector<64x64xf32>
    %mul3A_104 = arith.mulf %get3A_4, %get3A_4 : vector<64x64xf32>
    %add3A_105 = arith.addf %add3A_103, %mul3A_104 : vector<64x64xf32>
    %add3A_106 = arith.addf %add3A_105, %select_n3A : vector<64x64xf32>
    %swap3A_107 = arith.constant 0 : index
    %swap3A_108 = arith.constant 0 : index
    %swap3A_109 = vector.load %arg9[%swap3A_107, %swap3A_108] : memref<64x64xf32, #tpu.memory_space<vmem>>, vector<64x64xf32>
    tpu.vector_store %arg9[%swap3A_107, %swap3A_108], %add3A_106 {strides = array<i32>} : memref<64x64xf32, #tpu.memory_space<vmem>>, vector<64x64xf32>,
    %convert_element_type3A_110 = arith.extui %gt3A_8 : vector<64x64xi1> to vector<64x64xi32>
    %convert_element_type3A_111 = arith.sitofp %convert_element_type3A_110 : vector<64x64xi32> to vector<64x64xf32>
    %swap3A_112 = arith.constant 0 : index
    %swap3A_113 = arith.constant 0 : index
    %swap3A_114 = vector.load %arg10[%swap3A_112, %swap3A_113] : memref<64x64xf32, #tpu.memory_space<vmem>>, vector<64x64xf32>
    tpu.vector_store %arg10[%swap3A_112, %swap3A_113], %convert_element_type3A_111 {strides = array<i32>} : memref<64x64xf32, #tpu.memory_space<vmem>>, vector<64x64xf32>,
    return
  }
}

module attributes {stable_mosaic.version = 14 : i64} {
  func.func @_epi_body(%arg0: memref<32x16xf32, #tpu.memory_space<vmem>>, %arg1: memref<32x4096xf32, #tpu.memory_space<vmem>>, %arg2: memref<1x4096xf32, #tpu.memory_space<vmem>>, %arg3: memref<1x1xf32, #tpu.memory_space<vmem>>) attributes {dimension_semantics = [], scalar_prefetch = 0 : i64, scratch_operands = 0 : i64, tpu.core_type = #tpu.core_type<tc>} {
    %get3A = arith.constant 0 : index
    %get3A_0 = arith.constant 0 : index
    %get3A_1 = vector.load %arg1[%get3A, %get3A_0] : memref<32x4096xf32, #tpu.memory_space<vmem>>, vector<32x4096xf32>
    %reduce_min3A = arith.constant dense<0x7F800000> : vector<4096xf32>
    %reduce_min3A_2 = vector.multi_reduction <minimumf>, %get3A_1, %reduce_min3A [0] : vector<32x4096xf32> to vector<4096xf32>
    %broadcast_in_dim3A = vector.shape_cast %reduce_min3A_2 : vector<4096xf32> to vector<1x4096xf32>
    %get3A_3 = arith.constant 0 : index
    %get3A_4 = arith.constant 0 : index
    %get3A_5 = vector.load %arg2[%get3A_3, %get3A_4] : memref<1x4096xf32, #tpu.memory_space<vmem>>, vector<1x4096xf32>
    %mul3A = arith.mulf %get3A_5, %broadcast_in_dim3A : vector<1x4096xf32>
    %reduce_sum3A = vector.shape_cast %mul3A : vector<1x4096xf32> to vector<1x1x4096xf32>
    %reduce_sum3A_6 = arith.constant dense<0.000000e+00> : vector<1xf32>
    %reduce_sum3A_7 = vector.multi_reduction <add>, %reduce_sum3A, %reduce_sum3A_6 [1, 2] : vector<1x1x4096xf32> to vector<1xf32>
    %reduce_sum3A_8 = vector.shape_cast %reduce_sum3A_7 : vector<1xf32> to vector<1x1x1xf32>
    %reduce_sum3A_9 = vector.extract %reduce_sum3A_8[0, 0, 0] : f32 from vector<1x1x1xf32>
    %get3A_10 = arith.constant 0 : index
    %get3A_11 = arith.constant 0 : index
    %get3A_12 = vector.load %arg0[%get3A_10, %get3A_11] : memref<32x16xf32, #tpu.memory_space<vmem>>, vector<32x1xf32>
    %reduce_sum3A_13 = vector.shape_cast %get3A_12 : vector<32x1xf32> to vector<1x32x1xf32>
    %reduce_sum3A_14 = arith.constant dense<0.000000e+00> : vector<1xf32>
    %reduce_sum3A_15 = vector.multi_reduction <add>, %reduce_sum3A_13, %reduce_sum3A_14 [1, 2] : vector<1x32x1xf32> to vector<1xf32>
    %reduce_sum3A_16 = vector.shape_cast %reduce_sum3A_15 : vector<1xf32> to vector<1x1x1xf32>
    %reduce_sum3A_17 = vector.extract %reduce_sum3A_16[0, 0, 0] : f32 from vector<1x1x1xf32>
    %reduce_sum3A_18 = vector.shape_cast %get3A_5 : vector<1x4096xf32> to vector<1x1x4096xf32>
    %reduce_sum3A_19 = arith.constant dense<0.000000e+00> : vector<1xf32>
    %reduce_sum3A_20 = vector.multi_reduction <add>, %reduce_sum3A_18, %reduce_sum3A_19 [1, 2] : vector<1x1x4096xf32> to vector<1xf32>
    %reduce_sum3A_21 = vector.shape_cast %reduce_sum3A_20 : vector<1xf32> to vector<1x1x1xf32>
    %reduce_sum3A_22 = vector.extract %reduce_sum3A_21[0, 0, 0] : f32 from vector<1x1x1xf32>
    %max3A = arith.constant 1.000000e+00 : f32
    %max3A_23 = arith.maximumf %reduce_sum3A_22, %max3A : f32
    %add3A = arith.addf %reduce_sum3A_17, %reduce_sum3A_9 : f32
    %div3A = arith.divf %add3A, %max3A_23 : f32
    %broadcast_in_dim3A_24 = vector.broadcast %div3A : f32 to vector<1x1xf32>
    %swap3A = arith.constant 0 : index
    %swap3A_25 = arith.constant 0 : index
    %swap3A_26 = vector.load %arg3[%swap3A, %swap3A_25] : memref<1x1xf32, #tpu.memory_space<vmem>>, vector<1x1xf32>
    tpu.vector_store %arg3[%swap3A, %swap3A_25], %broadcast_in_dim3A_24 {strides = array<i32>} : memref<1x1xf32, #tpu.memory_space<vmem>>, vector<1x1xf32>,
    return
  }
}

</mosaic_0001>

<sc_bundles>
// kernel: kernel.5.cloned.1.call-start
scs
__scs_entry_jumppad:
0x0: {  	(pc) =	sbr.rel $0x88, $3  }
0x1: {  	(tag) =	ssettag $0x0;
	lr =	simm.s32 $0x1  }
0x2: {  	[smem:$0x3F9F] =	sst lr;
	_ =	strace $0xD0000000  }
0x3: {  	_ = 	snop  }
0x4: {  	_ = 	snop  }
0x5: {  	_ = 	snop  }
0x6: {  	_ = 	snop  }
0x7: {  	_ = 	snop  }
__scs_overlays_trampoline_lowered:
0x8: {  	[smem:$0x3FAE] =	sst s0  }
0x9: {  	[smem:$0x3FAF] =	sst s1  }
0xa: {  	[smem:$0x3FB0] =	sst s2  }
0xb: {  	[smem:$0x3FB1] =	sst s3  }
0xc: {  	[smem:$0x3FB2] =	sst s4  }
0xd: {  	[smem:$0x3FB3] =	sst s5  }
0xe: {  	[smem:$0x3FB4] =	sst s6  }
0xf: {  	[smem:$0x3FB5] =	sst s7  }
0x10: {  	[smem:$0x3FB6] =	sst s8  }
0x11: {  	[smem:$0x3FB7] =	sst s9;
	s0 =	simm.s32 @!p0 $0x0  }
0x12: {  	s1 =	sld [smem:$0x3F9D];
	s0 =	simm.s32 @p0 $0x1  }
0x13: {  	[smem:$0x3FB8] =	sst s0;
	s0 =	simm.s32 @!p1 $0x0  }
0x14: {  	s2 =	sld [smem:$0x3F9C];
	s0 =	simm.s32 @p1 $0x1  }
0x15: {  	[smem:$0x3FB9] =	sst s0;
	s0 =	simm.s32 @!p2 $0x0  }
0x16: {  	s3 =	sld [smem:$0x3FDB];
	s0 =	simm.s32 @p2 $0x1  }
0x17: {  	s4 =	simm.s32 $0x1BF5;
	[smem:$0x3FBB] =	sst s0  }
0x18: {  	s0 =	sld [smem:$0x3F9E];
	_ =	swait.ge [sflag:s4], $0x0  }
0x19: {  	s7 =	sld [smem:$0x3F9F]  }
0x1a: {  	s8 =	sadd.s32 $0xFFFFE003, lr  }
0x1b: {  	s9 =	sadd.s32 $0xFFFFFEF7, lr;
	s5 =	simm.s32 $0xFFFFFFFF;
	p2 =	slt.u32 s8, $0xFFFFF086  }
0x1c: {  	p1 =	slt.u32 s9, $0xF7A;
	s5 =	simm.s32 @!p2 $0x0  }
0x1d: {  	s5 =	simm.s32 @p1 $0x1;
	p0 =	seq.s32 s7, s2  }
0x1e: {  	s7 =	smul.u32 @!p0 $0xF7A, s2;
	p2 =	seq.s32 @!p0 s5, $0x0  }
0x1f: {  	s9 =	smul.u32 $0xF7A, s1;
	s8 =	simm.s32 @!p0 $0x1BF5;
	p2 =	por !p2, p0  }
0x20: {  	[sflag:s8] =	ssyncset.s32 @!p0 $0xFFFFF086;
	s6 =	sadd.s32 @!p0 s3, s7;
	s7 =	simm.s32 @!p0 $0x108  }
0x21: {  	s3 =	sadd.s32 s3, s9;
	s6 =	sadd.s32 @!p0 $0x88, s6;
	s7 =	simm.s32 @p2 $0x1082  }
0x22: {  	[simem:s7], [sflag:s8] =	dma.local @!p0 [hbm:s6], $0xF7A  }
0x23: {  	s9 =	sor.u32 $0xD0000000, s2;
	s6 =	simm.s32 $0x108;
	_ =	swait.ge @!p0 [sflag:s8], $0x0  }
0x24: {  	s3 =	sadd.s32 $0x88, s3;
	s6 =	simm.s32 @!p1 $0x1082;
	[sflag:s4] =	ssyncset.s32 $0xFFFFF086  }
0x25: {  	[simem:s6], [sflag:s4] =	dma.local [hbm:s3], $0xF7A  }
0x26: {  	[smem:$0x3F9F] =	sst s1;
	(tag) =	ssettag s2;
	_ =	strace s9  }
0x27: {  	s1 =	sld [smem:$0x3FAF]  }
0x28: {  	s2 =	sld [smem:$0x3FB0]  }
0x29: {  	s4 =	sld [smem:$0x3FB2]  }
0x2a: {  	p0 =	seq.s32 s5, $0x0;
	s5 =	sld [smem:$0x3FB3]  }
0x2b: {  	s6 =	sld [smem:$0x3FB4]  }
0x2c: {  	s7 =	sld [smem:$0x3FB5]  }
0x2d: {  	s3 =	simm.s32 $0x108;
	s8 =	sld [smem:$0x3FB6]  }
0x2e: {  	s3 =	simm.s32 @!p0 $0x1082;
	s9 =	sld [smem:$0x3FB7]  }
0x2f: {  	lr =	sadd.s32 s0, s3;
	s0 =	sld [smem:$0x3FAE]  }
0x30: {  	s3 =	sld [smem:$0x3FB1]  }
0x31: {  	[smem:$0x3FBA] =	sst s10  }
0x32: {  	s10 =	sld [smem:$0x3FB8];
	_ =	sdelay $0x3  }
0x33: {  	p0 =	seq.s32 s10, $0x1;
	s10 =	sld [smem:$0x3FBA];
	_ =	sdelay $0x3  }
0x34: {  	[smem:$0x3FBA] =	sst s10  }
0x35: {  	s10 =	sld [smem:$0x3FB9];
	_ =	sdelay $0x3  }
0x36: {  	p1 =	seq.s32 s10, $0x1;
	s10 =	sld [smem:$0x3FBA];
	_ =	sdelay $0x3  }
0x37: {  	[smem:$0x3FBA] =	sst s10  }
0x38: {  	s10 =	sld [smem:$0x3FBB]  }
0x39: {  	_ = 	snop;
	(pc) =	sbr.ind lr, $3  }
0x3a: {  	_ = 	snop  }
0x3b: {  	_ = 	snop  }
0x3c: {  	p2 =	seq.s32 s10, $0x1;
	s10 =	sld [smem:$0x3FBA]  }
0x3d: {  	_ =	shalt  }
0x3e: {  	_ =	shalt  }
0x3f: {  	_ =	shalt  }
0x40: {  	_ =	shalt  }
0x41: {  	_ =	shalt  }
0x42: {  	_ =	shalt  }
0x43: {  	_ =	shalt  }
0x44: {  	_ =	shalt  }
0x45: {  	_ =	shalt  }
0x46: {  	_ =	shalt  }
0x47: {  	_ =	shalt  }
0x48: {  	_ =	shalt  }
0x49: {  	_ =	shalt  }
0x4a: {  	_ =	shalt  }
0x4b: {  	_ =	shalt  }
0x4c: {  	_ =	shalt  }
0x4d: {  	_ =	shalt  }
0x4e: {  	_ =	shalt  }
0x4f: {  	_ =	shalt  }
0x50: {  	_ =	shalt  }
0x51: {  	_ =	shalt  }
0x52: {  	_ =	shalt  }
0x53: {  	_ =	shalt  }
0x54: {  	_ =	shalt  }
0x55: {  	_ =	shalt  }
0x56: {  	_ =	shalt  }
0x57: {  	_ =	shalt  }
0x58: {  	_ =	shalt  }
0x59: {  	_ =	shalt  }
0x5a: {  	_ =	shalt  }
0x5b: {  	_ =	shalt  }
0x5c: {  	_ =	shalt  }
0x5d: {  	_ =	shalt  }
0x5e: {  	_ =	shalt  }
0x5f: {  	_ =	shalt  }
0x60: {  	_ =	shalt  }
0x61: {  	_ =	shalt  }
0x62: {  	_ =	shalt  }
0x63: {  	_ =	shalt  }
0x64: {  	_ =	shalt  }
0x65: {  	_ =	shalt  }
0x66: {  	_ =	shalt  }
0x67: {  	_ =	shalt  }
0x68: {  	_ =	shalt  }
0x69: {  	_ =	shalt  }
0x6a: {  	_ =	shalt  }
0x6b: {  	_ =	shalt  }
0x6c: {  	_ =	shalt  }
0x6d: {  	_ =	shalt  }
0x6e: {  	_ =	shalt  }
0x6f: {  	_ =	shalt  }
0x70: {  	_ =	shalt  }
0x71: {  	_ =	shalt  }
0x72: {  	_ =	shalt  }
0x73: {  	_ =	shalt  }
0x74: {  	_ =	shalt  }
0x75: {  	_ =	shalt  }
0x76: {  	_ =	shalt  }
0x77: {  	_ =	shalt  }
0x78: {  	_ =	shalt  }
0x79: {  	_ =	shalt  }
0x7a: {  	_ =	shalt  }
0x7b: {  	_ =	shalt  }
0x7c: {  	_ =	shalt  }
0x7d: {  	_ =	shalt  }
0x7e: {  	_ =	shalt  }
0x7f: {  	_ =	shalt  }
0x80: {  	_ =	shalt  }
0x81: {  	_ =	shalt  }
0x82: {  	_ =	shalt  }
0x83: {  	_ =	shalt  }
0x84: {  	_ =	shalt  }
0x85: {  	_ =	shalt  }
0x86: {  	_ =	shalt  }
0x87: {  	_ =	shalt  }
.Lfunc_end0:
.L_simem_size_0:
called_computation_lowered:
.L_overlay_start_0:
0x88: {  	s2 =	sld [smem:$0x3FD9]  }
0x89: {  	s3 =	sld [smem:$0x3FFE];
	_ =	sdelay $0x1  }
0x8a: {  	s1 =	srdreg.scid  }
0x8b: {  	s0 =	sand.u32 $0x1, s1  }
0x8c: {  	s16 =	sshll.u32 s0, $0xA;
	s2 =	sadd.s32 s3, s2  }
0x8d: {  	s2 =	sadd.s32 s2, s16  }
0x8e: {  	[smem:$0x3FC6] =	sst s2  }
0x8f: {  	_ = 	snop  }
0x90: {  	(tm) =	ssettm $0x1  }
0x91: {  	s17 =	sld [smem:$0x3FFB];
	_ =	sdelay $0x3  }
0x92: {  	_ =	strace s17  }
0x93: {  	s2 =	sld [smem:$0x3FFC];
	_ =	sdelay $0x3  }
0x94: {  	_ =	strace s2  }
0x95: {  	s2 =	sld [smem:$0x3FFD];
	_ =	sdelay $0x3  }
0x96: {  	_ =	strace s2  }
0x97: {  	_ =	strace $0x8FFFFFFF  }
0x98: {  	s18 =	sld [smem:$0x3FDB];
	_ =	sdelay $0x1  }
0x99: {  	s19 =	simm.s32 $_scs_section_size  }
0x9a: {  	s4 =	simm.s32 $_size__tile_overlayer_lowered;
	s5 =	simm.s32 $_tile_overlayer_lowered  }
0x9b: {  	s22 =	simm.s32 $0x1BFF;
	s21 =	sshll.u32 s5, $0x1;
	s2 =	sadd.s32 s19, s18  }
0x9c: {  	s6 =	simm.s32 $0x0;
	s20 =	sshll.u32 s4, $0x1;
	s4 =	sadd.s32 s21, s2  }
0x9d: {  	[timem:s6], [sflag:s22] =	dma.local [hbm:s4], s20  }
0x9e: {  	_ =	swait.ge [sflag:s22], s20  }
0x9f: {  	s3 =	ssub.s32 $0x0, s20;
	[sflag:s22] =	ssyncset.done $0x0  }
0xa0: {  	[sflag:s22] =	ssyncadd.s32 s3;
	_ =	sdelay $0x1  }
0xa1: {  	s23 =	simm.s32 $0x1B8B  }
0xa2: {  	_ =	swait.ge [sflag:s23], $0x1  }
0xa3: {  	[sflag:s23] =	ssyncset.done $0x0  }
0xa4: {  	s25 =	simm.s32 $0x1B8E;
	s24 =	sld [smem:$0x3FFE];
	[sflag:s23] =	ssyncadd.s32 $0xFFFFFFFF  }
0xa5: {  	s26 =	simm.s32 $execute0_lowered;
	[smem:$0x3FD2] =	sst s25  }
0xa6: {  	s4 =	sshll.u32 s26, $0x1;
	_ =	strace $0x80000046;
	[dreg:$0x1] =	wrdreg $0xFFFFFFFF  }
0xa7: {  	s28 =	simm.s32 $_size_execute0_lowered;
	s2 =	sadd.s32 s2, s4;
	[dreg:$0x0] =	wrdreg $0x0  }
0xa8: {  	s4 =	sshll.u32 s28, $0x1;
	[dreg:$0x2] =	wrdreg s2  }
0xa9: {  	[dreg:$0x3] =	wrdreg s4  }
0xaa: {  	[dreg:$0x4] =	wrdreg $0xC0  }
0xab: {  	_ =	task [dreg:s6], $0x5FFFF  }
0xac: {  	[dreg:$0x1] =	wrdreg $0xFFFFFFFF  }
0xad: {  	[dreg:$0x0] =	wrdreg $0x60  }
0xae: {  	[dreg:$0x2] =	wrdreg s24  }
0xaf: {  	[dreg:$0x3] =	wrdreg $0x9  }
0xb0: {  	_ =	task.clear_ibuf [dreg:s6], $0x4FFFF;
	_ =	strace $0x90000046  }
0xb1: {  	s29 =	simm.s32 $0x9;
	_ =	strace $0x80000048  }
0xb2: {  	_ =	swait.ge [sflag:s29], $0x1  }
0xb3: {  	[sflag:s29] =	ssyncadd.s32 $0xFFFFFFFF  }
0xb4: {  	_ =	strace $0x90000048  }
0xb5: {  	_ =	sfence  }
0xb6: {  	s30 =	sld [smem:$0x0];
	_ =	sdelay $0x2  }
0xb7: {  	s31 =	sshll.u32 s1, $0xD;
	s1 =	sshrl.u32 s1, $0x2  }
0xb8: {  	s3 =	sand.u32 $0x4000, s31;
	s1 =	sadd.s32 s1, s30  }
0xb9: {  	s0 =	sor.u32 s3, s0;
	s1 =	sshll.u32 s1, $0x11  }
0xba: {  	s0 =	sor.u32 s1, s0  }
0xbb: {  	s0 =	sadd.s32 $0x8F2B, s0  }
0xbc: {  	[sflag:s0] =	ssyncadd.remote.s32 $0x1  }
0xbd: {  	_ =	sfence.sel $0xFFFF  }
0xbe: {  	[dreg:$0x0] =	wrdreg $0xFFFFFFFF;
	(pc) =	sbr.abs _section_cstart, $3  }
0xbf: {  	[dreg:$0x1] =	wrdreg $0xFFFFFFFF  }
0xc0: {  	_ =	task.clear_ibuf [dreg:s6], $0x2FFFF;
	_ =	strace $0x9FFFFFFF  }
0xc1: {  	(tm) =	ssettm $0x7FFFFFFF  }
tec
execute0_lowered:
.L_overlay_start_1:
0x0: {  	(tag) =	ssettag $0x1  }
0x1: {  	s0 =	rddreg [dreg:$0x0];
	s1 =	simm.s32 $0x0;
	s2 =	srdreg.scid  }
0x2: {  	s9 =	stileid.u32;
	s19 =	simm.s32 $0x4080;
	s20 =	simm.s32 $0x4100  }
0x3: {  	s21 =	simm.s32 $0x4180;
	s22 =	simm.s32 $0x4200;
	s23 =	simm.s32 $0x1  }
0x4: {  	s24 =	simm.s32 $0x5280;
	s25 =	simm.s32 $0x2;
	s28 =	simm.s32 $0x400  }
0x5: {  	s29 =	simm.s32 $0x4280;
	s30 =	simm.s32 $0x0;
	[smem:$0x7FF] =	sst s1  }
0x6: {  	s3 =	sadd.s32 $0x1A00, s0;
	s4 =	sadd.s32 $0x1C00, s0;
	s2 =	sand.u32 $0x1, s2  }
0x7: {  	s7 =	sshll.u32 s9, $0x1;
	s5 =	sadd.s32 $0x1E00, s0;
	s6 =	sadd.s32 $0x2000, s0  }
0x8: {  	s9 =	sshrl.u32 s9, $0x2;
	_ =	strace $0x80000047;
	s7 =	sor.u32 s2, s7  }
0x9: {  	s10 =	sshll.u32 s9, $0xA;
	s9 =	sshll.u32 s9, $0xF;
	s2 =	ssub.s32 $0x2, s2  }
0xa: {  	s8 =	sshll.u32 s7, $0x4;
	s7 =	sshll.u32 s7, $0x7;
	s31 =	sshrl.u32 s2, $0x1  }
0xb: {  	s7 =	sand.u32 $0x380, s7;
	s11 =	sadd.s32 s8, s0;
	s2 =	ssub.s32 s2, s31  }
0xc: {  	s26 =	sor.u32 s10, s7;
	s7 =	sor.u32 s9, s7;
	s9 =	sadd.s32 $0x1600, s11  }
0xd: {  	s10 =	sadd.s32 $0x1800, s11;
	s14 =	smax.u32 s2, $0x1;
	s8 =	sshrl.u32 s26, $0x3  }
0xe: {  	s7 =	sshrl.u32 s7, $0x3;
	s26 =	simm.s32 $0x80;
	s12 =	sadd.s32 s8, s0  }
0xf: {  	v0 =	vimm.s32 $0x0;
	s0 =	sadd.s32 s7, s0;
	s7 =	sadd.s32 $0x1200, s11;
	s8 =	sadd.s32 $0x1400, s11  }
0x10: {  	v1 =	vimm.s32 $0x1;
	v2 =	vimm.s32 $0x2;
	v3 =	vimm.s32 $0x3;
	s11 =	sadd.s32 $0x2200, s11;
	s12 =	sadd.s32 $0x6400, s12;
	s13 =	sadd.s32 $0x2400, s0  }
.LBB2_1:
0x11: {  	[tilespmem:s1], [sflag:$0x1] =	stream.linear.gather [hbm4b:s3+s1], $0x1000, $0x38;
	[tilespmem:$0x5300] =	vst v63  }
0x12: {  	s0 =	simm.s32 $0x1000  }
0x13: {  	[tilespmem:s0], [sflag:$0x1] =	stream.linear.gather [hbm4b:s4+s1], $0x1000, $0x38;
	[tilespmem:$0x5300] =	vst v63  }
0x14: {  	s15 =	simm.s32 $0x2000  }
0x15: {  	[tilespmem:s15], [sflag:$0x1] =	stream.linear.gather [hbm4b:s5+s1], $0x1000, $0x38;
	[tilespmem:$0x5300] =	vst v63  }
0x16: {  	s16 =	simm.s32 $0x3000  }
0x17: {  	[tilespmem:s16], [sflag:$0x1] =	stream.linear.gather [hbm4b:s6+s1], $0x1000, $0x38;
	[tilespmem:$0x5300] =	vst v63  }
0x18: {  	s17 =	simm.s32 $0x4000  }
0x19: {  	[tilespmem:s17], [sflag:$0x1] =	stream.linear.gather [hbm4b:s7+s1], $0x80, $0x38;
	[tilespmem:$0x5300] =	vst v63  }
0x1a: {  	_ = 	snop  }
0x1b: {  	[tilespmem:s19], [sflag:$0x1] =	stream.linear.gather [hbm4b:s8+s1], $0x80, $0x38;
	[tilespmem:$0x5300] =	vst v63  }
0x1c: {  	_ = 	snop  }
0x1d: {  	[tilespmem:s20], [sflag:$0x1] =	stream.linear.gather [hbm4b:s9+s1], $0x80, $0x38;
	[tilespmem:$0x5300] =	vst v63  }
0x1e: {  	_ = 	snop  }
0x1f: {  	[tilespmem:s21], [sflag:$0x1] =	stream.linear.gather [hbm4b:s10+s1], $0x80, $0x38;
	[tilespmem:$0x5300] =	vst v63  }
0x20: {  	_ = 	snop  }
0x21: {  	[tilespmem:s22], [sflag:$0x1] =	stream.linear.gather [hbm4b:s11+s1], $0x80, $0x38;
	[tilespmem:$0x5300] =	vst v63  }
0x22: {  	_ =	swait.ge [sflag:s23], $0x1000  }
0x23: {  	[sflag:s23] =	ssyncset.done $0x0  }
0x24: {  	[sflag:s23] =	ssyncadd.s32 $0xFFFFF000  }
0x25: {  	_ =	swait.ge [sflag:s23], $0x1000  }
0x26: {  	[sflag:s23] =	ssyncset.done $0x0  }
0x27: {  	[sflag:s23] =	ssyncadd.s32 $0xFFFFF000  }
0x28: {  	_ =	swait.ge [sflag:s23], $0x1000  }
0x29: {  	[sflag:s23] =	ssyncset.done $0x0  }
0x2a: {  	[sflag:s23] =	ssyncadd.s32 $0xFFFFF000  }
0x2b: {  	_ =	swait.ge [sflag:s23], $0x1000  }
0x2c: {  	[sflag:s23] =	ssyncset.done $0x0  }
0x2d: {  	[sflag:s23] =	ssyncadd.s32 $0xFFFFF000  }
0x2e: {  	_ =	swait.ge [sflag:s23], $0x80  }
0x2f: {  	[sflag:s23] =	ssyncset.done $0x0  }
0x30: {  	[sflag:s23] =	ssyncadd.s32 $0xFFFFFF80  }
0x31: {  	_ =	swait.ge [sflag:s23], $0x80  }
0x32: {  	[sflag:s23] =	ssyncset.done $0x0  }
0x33: {  	[sflag:s23] =	ssyncadd.s32 $0xFFFFFF80  }
0x34: {  	_ =	swait.ge [sflag:s23], $0x80  }
0x35: {  	[sflag:s23] =	ssyncset.done $0x0  }
0x36: {  	[sflag:s23] =	ssyncadd.s32 $0xFFFFFF80  }
0x37: {  	_ =	swait.ge [sflag:s23], $0x80  }
0x38: {  	[sflag:s23] =	ssyncset.done $0x0  }
0x39: {  	[sflag:s23] =	ssyncadd.s32 $0xFFFFFF80  }
0x3a: {  	_ =	swait.ge [sflag:s23], $0x80  }
0x3b: {  	[sflag:s23] =	ssyncset.done $0x0  }
0x3c: {  	[sflag:s23] =	ssyncadd.s32 $0xFFFFFF80  }
0x3d: {  	v5 =	vld [tilespmem:$0x4000]  }
0x3e: {  	v8 =	vld [tilespmem:$0x4080]  }
0x3f: {  	v10 =	vld [tilespmem:$0x4100]  }
0x40: {  	v19 =	vld [tilespmem:$0x4180];
	_ =	sdelay $0x1  }
0x41: {  	v4 =	vperm.xlane v5, v0;
	v6 =	vperm.xlane v5, v1  }
0x42: {  	v7 =	vperm.xlane v5, v2;
	v9 =	vperm.xlane v5, v3  }
0x43: {  	v11 =	vperm.xlane v8, v1;
	v13 =	vperm.xlane v8, v2  }
0x44: {  	v15 =	vperm.xlane v10, v2;
	v16 =	vperm.xlane v19, v0  }
0x45: {  	v4 =	vmul.f32 $-2.000000000e+00, v4;
	v5 =	vmul.f32 $-2.000000000e+00, v6  }
0x46: {  	s18 =	simm.s32 $0x2010;
	v6 =	vmul.f32 $-2.000000000e+00, v7;
	v7 =	vmul.f32 $-2.000000000e+00, v9  }
0x47: {  	s2 =	simm.s32 $0x1010;
	v20 =	vld [tilespmem:s18+$0xFFFFFFF0];
	v9 =	vperm.xlane v8, v0;
	v8 =	vperm.xlane v8, v3  }
0x48: {  	s15 =	simm.s32 $0x10;
	v21 =	vld [tilespmem:s2+$0xFFFFFFF0];
	v12 =	vmul.f32 $-2.000000000e+00, v11;
	v13 =	vmul.f32 $-2.000000000e+00, v13  }
0x49: {  	v22 =	vld [tilespmem:s15+$0xFFFFFFF0];
	v11 =	vperm.xlane v10, v1;
	v15 =	vmul.f32 $-2.000000000e+00, v15  }
0x4a: {  	v9 =	vmul.f32 $-2.000000000e+00, v9;
	v14 =	vmul.f32 $-2.000000000e+00, v8  }
0x4b: {  	v26 =	vld [tilespmem:s15+$0x0];
	v8 =	vperm.xlane v10, v0;
	v17 =	vmul.f32 $-2.000000000e+00, v11  }
0x4c: {  	v11 =	vperm.xlane v19, v1;
	v25 =	vmul.f32 v20, v15  }
0x4d: {  	v31 =	vld [tilespmem:s2+$0x0];
	s2 =	simm.s32 $0x1030;
	v29 =	vmul.f32 v21, v12;
	v30 =	vmul.f32 v21, v13  }
0x4e: {  	s15 =	simm.s32 $0x30;
	v52 =	vld [tilespmem:s2+$0xFFFFFFF0];
	v32 =	vmul.f32 v22, v4;
	v33 =	vmul.f32 v22, v5  }
0x4f: {  	v55 =	vld [tilespmem:s15+$0xFFFFFFF0];
	v35 =	vmul.f32 v22, v6;
	v22 =	vmul.f32 v22, v7  }
0x50: {  	v60 =	vld [tilespmem:s2+$0x0];
	v36 =	vmul.f32 v26, v4;
	v37 =	vmul.f32 v26, v5  }
0x51: {  	s16 =	simm.s32 $0x3010;
	v38 =	vmul.f32 v26, v6;
	v26 =	vmul.f32 v26, v7  }
0x52: {  	v27 =	vld [tilespmem:s16+$0xFFFFFFF0];
	v40 =	vmul.f32 v31, v12;
	v44 =	vmul.f32 v31, v13  }
0x53: {  	v58 =	vmul.f32 v52, v12;
	v41 =	vmul.f32 v52, v13  }
0x54: {  	v34 =	vld [tilespmem:s16+$0x0];
	v42 =	vmul.f32 v55, v5;
	v43 =	vmul.f32 v55, v6  }
0x55: {  	s16 =	simm.s32 $0x3030;
	v63 =	vmul.f32 v60, v12;
	v18 =	vmul.f32 $-2.000000000e+00, v8  }
0x56: {  	v56 =	vld [tilespmem:s16+$0xFFFFFFF0];
	v8 =	vperm.xlane v10, v3;
	v24 =	vmul.f32 v20, v17  }
0x57: {  	v28 =	vmul.f32 v21, v9;
	v32 =	vadd.f32 v27, v32;
	v33 =	vadd.f32 v27, v33  }
0x58: {  	v21 =	vmul.f32 v21, v14;
	v35 =	vadd.f32 v27, v35;
	v22 =	vadd.f32 v27, v22  }
0x59: {  	v36 =	vadd.f32 v34, v36;
	v39 =	vmul.f32 v31, v9;
	v37 =	vadd.f32 v34, v37  }
0x5a: {  	v38 =	vadd.f32 v34, v38;
	v26 =	vadd.f32 v34, v26;
	v57 =	vmul.f32 v52, v9  }
0x5b: {  	v42 =	vadd.f32 v56, v42;
	v43 =	vadd.f32 v56, v43;
	v62 =	vmul.f32 v60, v9  }
0x5c: {  	s31 =	simm.s32 $0x2030;
	v10 =	vmul.f32 $-2.000000000e+00, v8;
	v8 =	vperm.xlane v19, v2;
	v28 =	vadd.f32 v32, v28  }
0x5d: {  	v47 =	vld [tilespmem:s31+$0xFFFFFFF0];
	v23 =	vmul.f32 v20, v18;
	v29 =	vadd.f32 v33, v29;
	v30 =	vadd.f32 v35, v30  }
0x5e: {  	v27 =	vld [tilespmem:s18+$0x0];
	v21 =	vadd.f32 v22, v21;
	v22 =	vmul.f32 v31, v14;
	v31 =	vadd.f32 v36, v39  }
0x5f: {  	v46 =	vadd.f32 v37, v40;
	v32 =	vadd.f32 v38, v44;
	v19 =	vperm.xlane v19, v3  }
0x60: {  	v36 =	vmul.f32 v52, v14;
	v39 =	vmul.f32 v55, v7;
	v22 =	vadd.f32 v26, v22  }
0x61: {  	v20 =	vmul.f32 v20, v10;
	v23 =	vadd.f32 v28, v23;
	v24 =	vadd.f32 v29, v24  }
0x62: {  	v28 =	vadd.f32 v30, v25;
	v30 =	vimm.f32 $4.000000000e+10;
	v25 =	vmul.f32 v47, v18  }
0x63: {  	v39 =	vadd.f32 v56, v39;
	v45 =	vmul.f32 v27, v18;
	v48 =	vmul.f32 v27, v17  }
0x64: {  	v26 =	vmul.f32 v27, v15;
	v20 =	vadd.f32 v21, v20;
	v49 =	vadd.f32 v23, v16  }
0x65: {  	v21 =	vmul.f32 v27, v10;
	v24 =	vadd.f32 v24, v11;
	v50 =	vadd.f32 v28, v8  }
0x66: {  	v28 =	vmul.f32 v47, v15;
	v27 =	vadd.f32 v31, v45;
	v29 =	vadd.f32 v46, v48  }
0x67: {  	v31 =	vadd.f32 v32, v26;
	v26 =	vmul.f32 v47, v17;
	v21 =	vadd.f32 v22, v21  }
0x68: {  	v22 =	vmin.f32 v30, v49;
	v53 =	vadd.f32 v20, v19;
	v51 =	vadd.f32 v27, v16  }
0x69: {  	v20 =	vmin.f32 v30, v24;
	v29 =	vadd.f32 v29, v11;
	v31 =	vadd.f32 v31, v8  }
0x6a: {  	v54 =	vadd.f32 v21, v19;
	v21 =	vmin.f32 v30, v50;
	v27 =	vmin.f32 v30, v53;
	v30 =	vld [tilespmem:s15+$0x0]  }
0x6b: {  	v24 =	vmin.f32 v49, v24;
	v33 =	vmin.f32 v50, v53;
	v23 =	vmin.f32 v22, v51  }
0x6c: {  	v59 =	vld [tilespmem:s16+$0x0];
	v22 =	vmin.f32 v20, v29;
	v21 =	vmin.f32 v21, v31;
	v34 =	vmin.f32 v51, v29  }
0x6d: {  	v29 =	vmul.f32 v55, v4;
	v44 =	vmin.f32 v24, v33;
	v33 =	vadd.f32 v42, v58  }
0x6e: {  	v20 =	vmin.f32 v27, v54;
	v27 =	vmul.f32 v47, v10;
	v31 =	vmin.f32 v31, v54  }
0x6f: {  	v45 =	vadd.f32 v56, v29;
	v29 =	vld [tilespmem:s31+$0x0];
	v48 =	vmin.f32 v34, v31;
	v24 =	vmul.f32 v30, v4  }
0x70: {  	v34 =	vadd.f32 v43, v41;
	v61 =	vmul.f32 v30, v5;
	v46 =	vmul.f32 v30, v6  }
0x71: {  	v30 =	vmul.f32 v30, v7;
	v35 =	vadd.f32 v45, v57;
	v47 =	vadd.f32 v59, v24  }
0x72: {  	s0 =	simm.s32 $0x4290;
	v37 =	vmul.f32 v60, v13;
	v49 =	vadd.f32 v59, v61;
	v32 =	vadd.f32 v59, v46  }
0x73: {  	v40 =	vmul.f32 v60, v14;
	v31 =	vadd.f32 v59, v30;
	v24 =	vld [tilespmem:$0x4200];
	[tilespmem:s0+$0xFFFFFFF0] =	vst v44;
	v30 =	vadd.f32 v39, v36  }
0x74: {  	s17 =	simm.s32 $0x2;
	s18 =	simm.s32 $0x2050;
	[tilespmem:s0+$0x0] =	vst v48;
	v39 =	vmul.f32 v29, v18;
	v38 =	vadd.f32 v47, v62;
	v36 =	vadd.f32 v49, v63  }
.LBB2_2:
0x75: {  	v41 =	vld [tilespmem:s18+$0xFFFFFFF0];
	v42 =	vmul.f32 v29, v17;
	v32 =	vadd.f32 v32, v37;
	v31 =	vadd.f32 v31, v40  }
0x76: {  	v35 =	vadd.f32 v35, v25;
	v26 =	vadd.f32 v33, v26;
	v25 =	vmul.f32 v29, v15  }
0x77: {  	v28 =	vadd.f32 v34, v28;
	v27 =	vadd.f32 v30, v27;
	v29 =	vmul.f32 v29, v10  }
0x78: {  	v30 =	vadd.f32 v38, v39;
	v33 =	vadd.f32 v36, v42  }
0x79: {  	v32 =	vadd.f32 v32, v25;
	v29 =	vadd.f32 v31, v29  }
0x7a: {  	v31 =	vadd.f32 v35, v16;
	v34 =	vadd.f32 v26, v11;
	v25 =	vmul.f32 v41, v18  }
0x7b: {  	s2 =	sadd.s32 $0x20, s2;
	v35 =	vadd.f32 v28, v8;
	v30 =	vadd.f32 v30, v16;
	v26 =	vmul.f32 v41, v17  }
0x7c: {  	v37 =	vadd.f32 v27, v19;
	v23 =	vmin.f32 v23, v31;
	v33 =	vadd.f32 v33, v11;
	v36 =	vld [tilespmem:s2+$0xFFFFFFF0]  }
0x7d: {  	s15 =	sadd.s32 $0x20, s15;
	v32 =	vadd.f32 v32, v8;
	v29 =	vadd.f32 v29, v19;
	v23 =	vmin.f32 v23, v30  }
0x7e: {  	v22 =	vmin.f32 v22, v34;
	v21 =	vmin.f32 v21, v35;
	v20 =	vmin.f32 v20, v37;
	v38 =	vld [tilespmem:s15+$0xFFFFFFF0]  }
0x7f: {  	v22 =	vmin.f32 v22, v33;
	v21 =	vmin.f32 v21, v32;
	v20 =	vmin.f32 v20, v29  }
0x80: {  	s16 =	sadd.s32 $0x20, s16;
	v31 =	vmin.f32 v31, v34;
	v28 =	vmul.f32 v41, v15;
	v27 =	vmul.f32 v41, v10;
	v39 =	vld [tilespmem:s15+$0x0]  }
0x81: {  	v35 =	vmin.f32 v35, v37;
	v34 =	vld [tilespmem:s16+$0xFFFFFFF0];
	v40 =	vmul.f32 v36, v9;
	v41 =	vmul.f32 v36, v12  }
0x82: {  	v30 =	vmin.f32 v30, v33;
	v42 =	vmul.f32 v36, v13;
	v36 =	vmul.f32 v36, v14;
	v43 =	vld [tilespmem:s2+$0x0]  }
0x83: {  	v29 =	vmin.f32 v32, v29;
	v33 =	vmul.f32 v38, v4;
	v37 =	vmul.f32 v38, v5;
	v44 =	vld [tilespmem:s16+$0x0]  }
0x84: {  	s0 =	sadd.s32 $0x20, s0;
	v31 =	vmin.f32 v31, v35;
	v32 =	vmul.f32 v38, v6;
	v38 =	vmul.f32 v38, v7  }
0x85: {  	v29 =	vmin.f32 v30, v29;
	v35 =	vmul.f32 v39, v4;
	v45 =	vmul.f32 v39, v5;
	[tilespmem:s0+$0xFFFFFFF0] =	vst v31  }
0x86: {  	s17 =	sadd.s32 $0x2, s17;
	v31 =	vmul.f32 v39, v6;
	v30 =	vadd.f32 v34, v33;
	v33 =	vadd.f32 v34, v37;
	[tilespmem:s0+$0x0] =	vst v29  }
0x87: {  	p0 =	slt.u32 s17, $0xFE;
	v46 =	vadd.f32 v34, v32;
	v38 =	vadd.f32 v34, v38;
	v34 =	vmul.f32 v39, v7;
	v29 =	vld [tilespmem:s18+$0x0]  }
.Ltmp0:
0x88: {  	v47 =	vmul.f32 v43, v9;
	v39 =	vadd.f32 v44, v35;
	v45 =	vadd.f32 v44, v45;
	(pc) =	sbr.rel @p0 .LBB2_2-.Ltmp0, $4  }
0x89: {  	v48 =	vmul.f32 v43, v12;
	v32 =	vadd.f32 v44, v31;
	v31 =	vadd.f32 v44, v34  }
0x8a: {  	v37 =	vmul.f32 v43, v13;
	v35 =	vadd.f32 v30, v40;
	v33 =	vadd.f32 v33, v41  }
0x8b: {  	v34 =	vadd.f32 v46, v42;
	v30 =	vadd.f32 v38, v36;
	v40 =	vmul.f32 v43, v14  }
0x8c: {  	s18 =	sadd.s32 $0x20, s18;
	v38 =	vadd.f32 v39, v47;
	v36 =	vadd.f32 v45, v48;
	v39 =	vmul.f32 v29, v18  }
0x8d: {  	v4 =	vadd.f32 v35, v25  }
0x8e: {  	v5 =	vadd.f32 v32, v37;
	v9 =	vadd.f32 v31, v40  }
0x8f: {  	v7 =	vmul.f32 v29, v17;
	v12 =	vadd.f32 v33, v26;
	v6 =	vadd.f32 v38, v39  }
0x90: {  	v14 =	vadd.f32 v34, v28;
	v4 =	vadd.f32 v4, v16  }
0x91: {  	v13 =	vmul.f32 v29, v15;
	v7 =	vadd.f32 v36, v7;
	v6 =	vadd.f32 v6, v16  }
0x92: {  	v10 =	vmul.f32 v29, v10;
	v12 =	vadd.f32 v12, v11;
	v47 =	vmin.f32 v23, v4  }
0x93: {  	v5 =	vadd.f32 v5, v13;
	v7 =	vadd.f32 v7, v11;
	v48 =	vmin.f32 v47, v6  }
0x94: {  	v49 =	vadd.f32 v30, v27;
	v14 =	vadd.f32 v14, v8;
	v50 =	vmin.f32 v22, v12;
	(xrf0) =	vmin.scan.msk.f32 $0xffff, v48  }
0x95: {  	v9 =	vadd.f32 v9, v10;
	v5 =	vadd.f32 v5, v8;
	v8 =	vmin.f32 v50, v7  }
0x96: {  	v51 =	vmin.f32 v21, v14;
	v11 =	vadd.f32 v49, v19;
	(xrf0) =	vmin.scan.msk.f32 $0xffff, v8  }
0x97: {  	v52 =	vadd.f32 v9, v19;
	v10 =	vmin.f32 v51, v5  }
0x98: {  	v53 =	vmin.f32 v20, v11;
	(xrf0) =	vmin.scan.msk.f32 $0xffff, v10  }
0x99: {  	v9 =	vmin.f32 v53, v52  }
0x9a: {  	v54, _, _ =	vpop (xrf0);
	(xrf0) =	vmin.scan.msk.f32 $0xffff, v9  }
0x9b: {  	v55 =	vperm.xlane v24, v0;
	v10 =	vbroadcast v54, $0xF  }
0x9c: {  	v58 =	vperm.xlane v24, v1;
	v56, _, _ =	vpop (xrf0)  }
0x9d: {  	v9 =	vbroadcast v56, $0xF;
	v10 =	vmul.f32 v55, v10  }
0x9e: {  	v59 =	vperm.xlane v24, v2;
	v57, _, _ =	vpop (xrf0)  }
0x9f: {  	v13 =	vbroadcast v57, $0xF;
	v9 =	vmul.f32 v58, v9;
	v10 =	vadd.f32 $0.0e+00, v10  }
0xa0: {  	v62 =	vperm.xlane v24, v3;
	v4 =	vmin.f32 v4, v12;
	v61, _, _ =	vpop (xrf0)  }
0xa1: {  	v60 =	vmul.f32 v59, v13;
	v9 =	vadd.f32 v9, v10;
	v13 =	vbroadcast v61, $0xF  }
0xa2: {  	v11 =	vmin.f32 v14, v11;
	v6 =	vmin.f32 v6, v7;
	v5 =	vmin.f32 v5, v52  }
0xa3: {  	s0 =	sadd.s32 $0x20, s0;
	v4 =	vmin.f32 v4, v11;
	v7 =	vadd.f32 v60, v9;
	v63 =	vmul.f32 v62, v13  }
0xa4: {  	[tilespmem:s0+$0xFFFFFFF0] =	vst v4;
	v4 =	vmin.f32 v6, v5  }
0xa5: {  	s31 =	simm.s32 $0x1;
	[tilespmem:s0+$0x0] =	vst v4;
	v4 =	vadd.f32 v63, v7  }
.LBB2_4:
0xa6: {  	s2 =	sshll.u32 s31, $0x2  }
0xa7: {  	s0 =	sand.u32 $0x70, s2  }
0xa8: {  	v10 =	vld [tilespmem:s0+$0x4000]  }
0xa9: {  	v13 =	vld [tilespmem:s0+$0x4080]  }
0xaa: {  	s2 =	sand.u32 $0xC, s2;
	v15 =	vld [tilespmem:s0+$0x4100]  }
0xab: {  	s15 =	sor.u32 $0x1, s2;
	s16 =	sor.u32 $0x2, s2;
	v24 =	vld [tilespmem:s0+$0x4180]  }
0xac: {  	v8 =	vmov s2;
	s2 =	sor.u32 $0x3, s2;
	v7 =	vmov s15;
	v6 =	vmov s16  }
0xad: {  	v5 =	vmov s2;
	v9 =	vperm.xlane v10, v8;
	v11 =	vperm.xlane v10, v7  }
0xae: {  	v12 =	vperm.xlane v10, v6;
	v14 =	vperm.xlane v10, v5  }
0xaf: {  	v16 =	vperm.xlane v13, v7;
	v18 =	vperm.xlane v13, v6  }
0xb0: {  	v20 =	vperm.xlane v15, v6;
	v21 =	vperm.xlane v24, v8  }
0xb1: {  	v9 =	vmul.f32 $-2.000000000e+00, v9;
	v10 =	vmul.f32 $-2.000000000e+00, v11  }
0xb2: {  	s2 =	simm.s32 $0x2010;
	v11 =	vmul.f32 $-2.000000000e+00, v12;
	v12 =	vmul.f32 $-2.000000000e+00, v14  }
0xb3: {  	s15 =	simm.s32 $0x1010;
	v25 =	vld [tilespmem:s2+$0xFFFFFFF0];
	v14 =	vperm.xlane v13, v8;
	v13 =	vperm.xlane v13, v5  }
0xb4: {  	s18 =	simm.s32 $0x10;
	v26 =	vld [tilespmem:s15+$0xFFFFFFF0];
	v17 =	vmul.f32 $-2.000000000e+00, v16;
	v18 =	vmul.f32 $-2.000000000e+00, v18  }
0xb5: {  	v27 =	vld [tilespmem:s18+$0xFFFFFFF0];
	v16 =	vperm.xlane v15, v7;
	v20 =	vmul.f32 $-2.000000000e+00, v20  }
0xb6: {  	v14 =	vmul.f32 $-2.000000000e+00, v14;
	v19 =	vmul.f32 $-2.000000000e+00, v13  }
0xb7: {  	v31 =	vld [tilespmem:s18+$0x0];
	v13 =	vperm.xlane v15, v8;
	v22 =	vmul.f32 $-2.000000000e+00, v16  }
0xb8: {  	v36 =	vld [tilespmem:s15+$0x0];
	v16 =	vperm.xlane v24, v7;
	v30 =	vmul.f32 v25, v20  }
0xb9: {  	v51 =	vld [tilespmem:s2+$0x0];
	s2 =	simm.s32 $0x1030;
	v34 =	vmul.f32 v26, v17;
	v35 =	vmul.f32 v26, v18  }
0xba: {  	v49 =	vld [tilespmem:s2+$0xFFFFFFF0];
	v37 =	vmul.f32 v27, v9;
	v38 =	vmul.f32 v27, v10  }
0xbb: {  	s17 =	simm.s32 $0x3010;
	v40 =	vmul.f32 v27, v11;
	v27 =	vmul.f32 v27, v12  }
0xbc: {  	v32 =	vld [tilespmem:s17+$0xFFFFFFF0];
	v41 =	vmul.f32 v31, v9;
	v42 =	vmul.f32 v31, v10  }
0xbd: {  	v39 =	vld [tilespmem:s17+$0x0];
	v43 =	vmul.f32 v31, v11;
	v31 =	vmul.f32 v31, v12  }
0xbe: {  	v45 =	vmul.f32 v36, v17;
	v52 =	vmul.f32 v36, v18  }
0xbf: {  	v46 =	vmul.f32 v49, v17;
	v23 =	vmul.f32 $-2.000000000e+00, v13  }
0xc0: {  	v61 =	vimm.f32 $4.000000000e+10;
	v13 =	vperm.xlane v15, v5;
	v29 =	vmul.f32 v25, v22  }
0xc1: {  	v33 =	vmul.f32 v26, v14;
	v37 =	vadd.f32 v32, v37;
	v38 =	vadd.f32 v32, v38  }
0xc2: {  	v26 =	vmul.f32 v26, v19;
	v40 =	vadd.f32 v32, v40;
	v41 =	vadd.f32 v39, v41  }
0xc3: {  	v44 =	vmul.f32 v36, v14;
	v42 =	vadd.f32 v39, v42;
	v43 =	vadd.f32 v39, v43  }
0xc4: {  	v31 =	vadd.f32 v39, v31;
	v57 =	vmul.f32 v51, v22;
	v39 =	vmul.f32 v49, v19  }
0xc5: {  	v27 =	vadd.f32 v32, v27;
	v15 =	vmul.f32 $-2.000000000e+00, v13;
	v13 =	vperm.xlane v24, v6  }
0xc6: {  	s18 =	simm.s32 $0x2030;
	v28 =	vmul.f32 v25, v23;
	v33 =	vadd.f32 v37, v33;
	v34 =	vadd.f32 v38, v34  }
0xc7: {  	v56 =	vld [tilespmem:s18+$0xFFFFFFF0];
	v35 =	vadd.f32 v40, v35;
	v26 =	vadd.f32 v27, v26;
	v27 =	vmul.f32 v36, v19  }
0xc8: {  	v53 =	vadd.f32 v41, v44;
	v54 =	vmul.f32 v51, v23;
	v55 =	vadd.f32 v42, v45  }
0xc9: {  	v37 =	vadd.f32 v43, v52;
	v24 =	vperm.xlane v24, v5;
	v45 =	vmul.f32 v49, v14  }
0xca: {  	v25 =	vmul.f32 v25, v15;
	v27 =	vadd.f32 v31, v27;
	v28 =	vadd.f32 v33, v28  }
0xcb: {  	s15 =	simm.s32 $0x30;
	v29 =	vadd.f32 v34, v29;
	v31 =	vmul.f32 v51, v20;
	v58 =	vadd.f32 v35, v30  }
0xcc: {  	v59 =	vadd.f32 v53, v54;
	v60 =	vadd.f32 v55, v57;
	v30 =	vmul.f32 v56, v23;
	v53 =	vld [tilespmem:s15+$0xFFFFFFF0]  }
0xcd: {  	v34 =	vmul.f32 v56, v20;
	v33 =	vmul.f32 v56, v15;
	v25 =	vadd.f32 v26, v25  }
0xce: {  	v55 =	vld [tilespmem:s15+$0x0];
	v26 =	vmul.f32 v51, v15;
	v62 =	vadd.f32 v37, v31;
	v63 =	vadd.f32 v29, v16  }
0xcf: {  	v31 =	vmul.f32 v56, v22;
	v48 =	vadd.f32 v58, v13;
	v32 =	vadd.f32 v59, v21  }
0xd0: {  	v51 =	vadd.f32 v60, v16;
	v58 =	vmul.f32 v49, v18;
	v26 =	vadd.f32 v27, v26  }
0xd1: {  	v27 =	vadd.f32 v28, v21;
	v50 =	vadd.f32 v25, v24;
	v59 =	vmul.f32 v53, v9  }
0xd2: {  	s16 =	simm.s32 $0x3030;
	v36 =	vadd.f32 v62, v13;
	v60 =	vmul.f32 v53, v10;
	v44 =	vmul.f32 v53, v12  }
0xd3: {  	v56 =	vld [tilespmem:s16+$0xFFFFFFF0];
	v25 =	vmin.f32 v61, v63;
	v49 =	vmul.f32 v55, v10;
	v40 =	vmul.f32 v55, v12  }
0xd4: {  	v28 =	vmin.f32 v61, v27;
	v52 =	vadd.f32 v26, v24;
	v26 =	vmin.f32 v61, v48  }
0xd5: {  	v47 =	vld [tilespmem:s2+$0x0];
	v54 =	vmin.f32 v61, v50;
	v27 =	vmin.f32 v27, v63;
	v57 =	vmin.f32 v48, v50  }
0xd6: {  	v61 =	vmul.f32 v53, v11;
	v63 =	vmul.f32 v55, v11;
	v29 =	vmin.f32 v28, v32  }
0xd7: {  	v28 =	vmin.f32 v25, v51;
	v26 =	vmin.f32 v26, v36;
	v32 =	vmin.f32 v32, v51  }
0xd8: {  	v48 =	vld [tilespmem:s16+$0x0];
	v35 =	vmin.f32 v27, v57;
	v27 =	vmul.f32 v55, v9;
	v62 =	vadd.f32 v56, v59  }
0xd9: {  	v42 =	vadd.f32 v56, v60;
	v50 =	vadd.f32 v56, v44;
	v25 =	vmin.f32 v54, v52  }
0xda: {  	v37 =	vld [tilespmem:s18+$0x0];
	v36 =	vmin.f32 v36, v52;
	v43 =	vadd.f32 v56, v61;
	v52 =	vmul.f32 v47, v14  }
0xdb: {  	v54 =	vmul.f32 v47, v17;
	v44 =	vadd.f32 v62, v45;
	v42 =	vadd.f32 v42, v46  }
0xdc: {  	v32 =	vmin.f32 v32, v36;
	v39 =	vadd.f32 v50, v39;
	v43 =	vadd.f32 v43, v58  }
0xdd: {  	v46 =	vmul.f32 v47, v18;
	v51 =	vadd.f32 v48, v27;
	v53 =	vadd.f32 v48, v49;
	v27 =	vld [tilespmem:s0+$0x4200];
	s0 =	simm.s32 $0x4290  }
0xde: {  	v41 =	vadd.f32 v48, v63;
	v40 =	vadd.f32 v48, v40;
	v48 =	vmul.f32 v47, v19;
	v38 =	vld [tilespmem:s0+$0xFFFFFFF0]  }
0xdf: {  	s17 =	simm.s32 $0x2;
	s18 =	simm.s32 $0x2050;
	v49 =	vmul.f32 v37, v23;
	v36 =	vld [tilespmem:s0+$0x0];
	v47 =	vadd.f32 v51, v52;
	v45 =	vadd.f32 v53, v54  }
.LBB2_5:
0xe0: {  	v50 =	vld [tilespmem:s18+$0xFFFFFFF0];
	v51 =	vmul.f32 v37, v22;
	v41 =	vadd.f32 v41, v46;
	v40 =	vadd.f32 v40, v48  }
0xe1: {  	v44 =	vadd.f32 v44, v30;
	v31 =	vadd.f32 v42, v31;
	v30 =	vmul.f32 v37, v20  }
0xe2: {  	v34 =	vadd.f32 v43, v34;
	v33 =	vadd.f32 v39, v33;
	v37 =	vmul.f32 v37, v15  }
0xe3: {  	v39 =	vadd.f32 v47, v49;
	v42 =	vadd.f32 v45, v51;
	v35 =	vmin.f32 v38, v35  }
0xe4: {  	v37 =	vadd.f32 v40, v37;
	v38 =	vadd.f32 v41, v30;
	[tilespmem:s0+$0xFFFFFFF0] =	vst v35;
	v32 =	vmin.f32 v36, v32  }
0xe5: {  	v35 =	vadd.f32 v44, v21;
	v36 =	vadd.f32 v31, v16;
	v30 =	vmul.f32 v50, v23;
	[tilespmem:s0+$0x0] =	vst v32  }
0xe6: {  	s2 =	sadd.s32 $0x20, s2;
	v39 =	vadd.f32 v39, v21;
	v31 =	vmul.f32 v50, v22;
	v32 =	vadd.f32 v34, v13  }
0xe7: {  	v41 =	vadd.f32 v33, v24;
	v42 =	vadd.f32 v42, v16;
	v29 =	vmin.f32 v29, v35;
	v40 =	vld [tilespmem:s2+$0xFFFFFFF0]  }
0xe8: {  	s15 =	sadd.s32 $0x20, s15;
	v37 =	vadd.f32 v37, v24;
	v38 =	vadd.f32 v38, v13;
	v29 =	vmin.f32 v29, v39  }
0xe9: {  	v25 =	vmin.f32 v25, v41;
	v28 =	vmin.f32 v28, v36;
	v26 =	vmin.f32 v26, v32;
	v43 =	vld [tilespmem:s15+$0xFFFFFFF0]  }
0xea: {  	v25 =	vmin.f32 v25, v37;
	v28 =	vmin.f32 v28, v42;
	v26 =	vmin.f32 v26, v38  }
0xeb: {  	s16 =	sadd.s32 $0x20, s16;
	v34 =	vmul.f32 v50, v20;
	v33 =	vmul.f32 v50, v15;
	v35 =	vmin.f32 v35, v36;
	v44 =	vld [tilespmem:s15+$0x0]  }
0xec: {  	v32 =	vmin.f32 v32, v41;
	v36 =	vld [tilespmem:s16+$0xFFFFFFF0];
	v45 =	vmul.f32 v40, v14;
	v46 =	vmul.f32 v40, v17  }
0xed: {  	v39 =	vmin.f32 v39, v42;
	v47 =	vmul.f32 v40, v18;
	v48 =	vmul.f32 v40, v19;
	v49 =	vld [tilespmem:s2+$0x0]  }
0xee: {  	v37 =	vmin.f32 v38, v37;
	v40 =	vmul.f32 v43, v9;
	v41 =	vmul.f32 v43, v10;
	v42 =	vld [tilespmem:s16+$0x0]  }
0xef: {  	v35 =	vmin.f32 v35, v32;
	v38 =	vmul.f32 v43, v11;
	v43 =	vmul.f32 v43, v12  }
0xf0: {  	s17 =	sadd.s32 $0x2, s17;
	v32 =	vmin.f32 v39, v37;
	v50 =	vmul.f32 v44, v9;
	v51 =	vmul.f32 v44, v10  }
0xf1: {  	p0 =	slt.u32 s17, $0xFE;
	v39 =	vadd.f32 v36, v40;
	v52 =	vadd.f32 v36, v41;
	v40 =	vmul.f32 v44, v11  }
0xf2: {  	v38 =	vadd.f32 v36, v38;
	v36 =	vadd.f32 v36, v43;
	v43 =	vmul.f32 v44, v12;
	v37 =	vld [tilespmem:s18+$0x0]  }
.Ltmp1:
0xf3: {  	v53 =	vmul.f32 v49, v14;
	v50 =	vadd.f32 v42, v50;
	v51 =	vadd.f32 v42, v51;
	(pc) =	sbr.rel @p0 .LBB2_5-.Ltmp1, $4  }
0xf4: {  	v54 =	vmul.f32 v49, v17;
	v41 =	vadd.f32 v42, v40;
	v40 =	vadd.f32 v42, v43  }
0xf5: {  	s0 =	sadd.s32 $0x20, s0;
	v44 =	vadd.f32 v39, v45;
	v42 =	vadd.f32 v52, v46;
	v46 =	vmul.f32 v49, v18  }
0xf6: {  	v43 =	vadd.f32 v38, v47;
	v39 =	vadd.f32 v36, v48;
	v48 =	vmul.f32 v49, v19;
	v38 =	vld [tilespmem:s0+$0xFFFFFFF0]  }
0xf7: {  	s18 =	sadd.s32 $0x20, s18;
	v47 =	vadd.f32 v50, v53;
	v45 =	vadd.f32 v51, v54;
	v49 =	vmul.f32 v37, v23;
	v36 =	vld [tilespmem:s0+$0x0]  }
0xf8: {  	v9 =	vadd.f32 v44, v30  }
0xf9: {  	v10 =	vadd.f32 v41, v46;
	v14 =	vadd.f32 v40, v48  }
0xfa: {  	v12 =	vmul.f32 v37, v22;
	v17 =	vadd.f32 v42, v31;
	v11 =	vadd.f32 v47, v49  }
0xfb: {  	v19 =	vadd.f32 v43, v34;
	v9 =	vadd.f32 v9, v21  }
0xfc: {  	v18 =	vmul.f32 v37, v20;
	v12 =	vadd.f32 v45, v12;
	v11 =	vadd.f32 v11, v21  }
0xfd: {  	v15 =	vmul.f32 v37, v15;
	v17 =	vadd.f32 v17, v16;
	v48 =	vmin.f32 v29, v9  }
0xfe: {  	v10 =	vadd.f32 v10, v18;
	v12 =	vadd.f32 v12, v16;
	v49 =	vmin.f32 v48, v11  }
0xff: {  	v50 =	vadd.f32 v39, v33;
	v19 =	vadd.f32 v19, v13;
	v51 =	vmin.f32 v28, v17;
	(xrf0) =	vmin.scan.msk.f32 $0xffff, v49  }
0x100: {  	v14 =	vadd.f32 v14, v15;
	v10 =	vadd.f32 v10, v13;
	v13 =	vmin.f32 v51, v12  }
0x101: {  	v52 =	vmin.f32 v26, v19;
	v16 =	vadd.f32 v50, v24;
	(xrf0) =	vmin.scan.msk.f32 $0xffff, v13  }
0x102: {  	v53 =	vadd.f32 v14, v24;
	v15 =	vmin.f32 v52, v10  }
0x103: {  	v54 =	vmin.f32 v25, v16;
	(xrf0) =	vmin.scan.msk.f32 $0xffff, v15  }
0x104: {  	v14 =	vmin.f32 v54, v53  }
0x105: {  	v55, _, _ =	vpop (xrf0);
	(xrf0) =	vmin.scan.msk.f32 $0xffff, v14  }
0x106: {  	v8 =	vperm.xlane v27, v8;
	v15 =	vbroadcast v55, $0xF  }
0x107: {  	s2 =	sadd.s32 $0x20, s0;
	v7 =	vperm.xlane v27, v7;
	v6 =	vperm.xlane v27, v6;
	v56, _, _ =	vpop (xrf0)  }
0x108: {  	v59 =	vld [tilespmem:s2+$0xFFFFFFF0];
	v14 =	vbroadcast v56, $0xF;
	v8 =	vmul.f32 v8, v15  }
0x109: {  	v5 =	vperm.xlane v27, v5;
	v9 =	vmin.f32 v9, v17;
	v16 =	vmin.f32 v19, v16;
	v57, _, _ =	vpop (xrf0)  }
0x10a: {  	s31 =	sadd.s32 $0x1, s31;
	v60 =	vld [tilespmem:s2+$0x0];
	v15 =	vbroadcast v57, $0xF;
	v7 =	vmul.f32 v7, v14;
	v4 =	vadd.f32 v8, v4  }
0x10b: {  	p0 =	sne.s32 s31, $0x20;
	v58 =	vmin.f32 v38, v35;
	v63 =	vmin.f32 v36, v32;
	v9 =	vmin.f32 v9, v16;
	v62, _, _ =	vpop (xrf0)  }
.Ltmp2:
0x10c: {  	v6 =	vmul.f32 v6, v15;
	v4 =	vadd.f32 v7, v4;
	v7 =	vbroadcast v62, $0xF;
	(pc) =	sbr.rel @p0 .LBB2_4-.Ltmp2, $4  }
0x10d: {  	[tilespmem:s0+$0xFFFFFFF0] =	vst v58;
	v61 =	vmin.f32 v11, v12;
	v10 =	vmin.f32 v10, v53;
	v9 =	vmin.f32 v59, v9  }
0x10e: {  	[tilespmem:s0+$0x0] =	vst v63;
	v8 =	vmin.f32 v61, v10;
	v4 =	vadd.f32 v6, v4;
	v5 =	vmul.f32 v5, v7  }
0x10f: {  	[tilespmem:s2+$0xFFFFFFF0] =	vst v9;
	v6 =	vmin.f32 v60, v8  }
0x110: {  	[tilespmem:s2+$0x0] =	vst v6;
	v4 =	vadd.f32 v5, v4  }
0x111: {  	_ = 	snop  }
0x112: {  	[tilespmem:$0x5280] =	vst v4  }
0x113: {  	[hbm4b:s12+s1] =	stream.linear.scatter [tilespmem:s24], [sflag:$0x2], $0x80, $0x38;
	[tilespmem:$0x5300] =	vst v63  }
0x114: {  	s30 =	sadd.s32 $0x1, s30;
	_ =	swait.ge [sflag:s25], $0x80  }
0x115: {  	p0 =	sne.s32 s30, s14;
	[sflag:s25] =	ssyncset.done $0x0  }
.Ltmp3:
0x116: {  	[sflag:s25] =	ssyncadd.s32 $0xFFFFFF80;
	(pc) =	sbr.rel @p0 .LBB2_1-.Ltmp3, $4  }
0x117: {  	[hbm4b:s13+s26] =	stream.strided.scatter [tilespmem:s29], [sflag:$0x2], $0x1000, s28, s26, $0x38;
	[tilespmem:$0x5300] =	vst v63  }
0x118: {  	_ =	swait.ge [sflag:s25], $0x1000  }
0x119: {  	[sflag:s25] =	ssyncset.done $0x0  }
0x11a: {  	[sflag:s25] =	ssyncadd.s32 $0xFFFFF000  }
0x11b: {  	_ =	sfence.sel $0x180000  }
0x11c: {  	[bflag:$0x0] =	sbarrier.arrive $0xFFFF  }
0x11d: {  	_ =	strace $0x90000047  }
0x11e: {  	s0 =	stileid.u32;
	[bflag:$0x2] =	sbarrier.arrive $0xFFFF  }
0x11f: {  	p0 =	sne.s32 s0, $0x0;
	s0 =	rddreg [dreg:$0x1]  }
0x120: {  	s0 =	sadd.s32 @!p0 $0x100000, s0  }
0x121: {  	[sflag:s0] =	ssyncadd.tile.s32 @!p0 $0x1;
	_ =	shalt  }
.Lfunc_end2:
_tile_overlayer_lowered:
.L_overlay_start_2:
0x122: {  	(tag) =	ssettag $0x2  }
0x123: {  	s0 =	rddreg [dreg:$0x0];
	s2 =	stileid.u32  }
0x124: {  	s1 =	rddreg [dreg:$0x1];
	p0 =	sne.s32 s2, $0x0  }
0x125: {  	s3 =	rddreg [dreg:$0x2];
	[bflag:$0x3] =	sbarrier.arrive $0xFFFF;
	s2 =	simm.s32 @!p0 $0x1C02  }
0x126: {  	[timem:s3], [sflag:s2] =	dma.local @!p0 [hbm:s0], s1  }
0x127: {  	s0 =	simm.s32 @!p0 $0x2  }
0x128: {  	_ =	swait.ge @!p0 [sflag:s0], s1  }
0x129: {  	s1 =	ssub.s32 @!p0 $0x0, s1;
	[sflag:s0] =	ssyncset.done @!p0 $0x0  }
0x12a: {  	[sflag:s0] =	ssyncadd.s32 @!p0 s1  }
0x12b: {  	[bflag:$0x3] =	sbarrier.arrive $0xFFFF  }
0x12c: {  	_ =	shalt  }

</sc_bundles>
